<compile_context>
chip_gen: v7x
topology: tpu7x:2x2x1
jax: 0.10.2.dev20260603
libtpu: 0.0.44.dev20260713+nightly
codegen_flags: <defaults>
</compile_context>

<pallas_src>
import functools

import jax
import jax.numpy as jnp
from jax import lax
from jax.experimental import pallas as pl
from jax.experimental.pallas import tpu as pltpu
from jax.experimental.pallas import tpu_sc as plsc

_NC = 2
_NS = 16
_NW = _NC * _NS

_BM = 512


def _router_body(x_ref, wr_ref, br_ref, wts_ref, dst_ref, cnt_ref):
    n = x_ref.shape[0]
    e = wr_ref.shape[1]
    logits = jnp.dot(x_ref[...], wr_ref[...],
                     preferred_element_type=jnp.float32) + br_ref[...]
    m = jnp.max(logits, axis=-1, keepdims=True)
    s = jnp.sum(jnp.exp(logits - m), axis=-1)
    wts_ref[...] = 1.0 / s
    eid = jnp.argmax(logits, axis=-1).astype(jnp.int32)

    oh = (eid[:, None] == lax.broadcasted_iota(jnp.int32, (1, e), 1))
    ohi = oh.astype(jnp.int32)
    csum = ohi
    k = 1
    while k < n:
        shifted = jnp.concatenate(
            [jnp.zeros((k, e), jnp.int32), csum[:-k, :]], axis=0)
        csum = csum + shifted
        k *= 2
    counts = csum[n - 1:n, :]
    off = counts
    k = 1
    while k < e:
        off_sh = jnp.concatenate(
            [jnp.zeros((1, k), jnp.int32), off[:, :-k]], axis=1)
        off = off + off_sh
        k *= 2
    off_ex = off - counts
    rank = jnp.sum(ohi * csum, axis=1) - 1
    base = jnp.sum(ohi * off_ex, axis=1)
    dst_ref[...] = base + rank
    cnt_ref[...] = counts[0]


def _router_dispatch(x2, Wr, br):
    n, d = x2.shape
    e = Wr.shape[1]
    return pl.pallas_call(
        _router_body,
        out_shape=(jax.ShapeDtypeStruct((n,), jnp.float32),
                   jax.ShapeDtypeStruct((n,), jnp.int32),
                   jax.ShapeDtypeStruct((e,), jnp.int32)),
    )(x2, Wr, br.reshape(1, e))


def _step_tables(counts, n, e):
    nblk = n // _BM
    g_tot = nblk + e - 1
    off = jnp.concatenate(
        [jnp.zeros((1,), jnp.int32), jnp.cumsum(counts).astype(jnp.int32)])
    first_blk = off[:e] // _BM
    last_blk = jnp.maximum(off[1:] - 1, 0) // _BM
    pairs = jnp.where(counts > 0, last_blk - first_blk + 1, 0).astype(jnp.int32)
    cum = jnp.cumsum(pairs)
    start = cum - pairs
    s = jnp.arange(g_tot, dtype=jnp.int32)
    valid = s < cum[-1]
    e_s = jnp.clip(jnp.searchsorted(cum, s, side="right"), 0, e - 1)
    e_s = e_s.astype(jnp.int32)
    m_s = first_blk[e_s] + (s - start[e_s])
    m_s = jnp.where(valid, m_s, nblk - 1).astype(jnp.int32)
    lo_s = jnp.where(valid, jnp.maximum(off[e_s], m_s * _BM), 0).astype(jnp.int32)
    hi_s = jnp.where(valid, jnp.minimum(off[e_s + 1], (m_s + 1) * _BM),
                     0).astype(jnp.int32)
    e_last = jnp.clip(jnp.searchsorted(cum, cum[-1] - 1, side="right"), 0, e - 1)
    e_s = jnp.where(valid, e_s, e_last).astype(jnp.int32)
    return m_s, e_s, lo_s, hi_s


def _moe_body(mb_ref, eb_ref, lo_ref, hi_ref,
              xs_ref, w_ref, b_ref, ws_ref, out_ref):
    g = pl.program_id(0)
    m = mb_ref[g]
    lo = lo_ref[g]
    hi = hi_ref[g]
    t = jnp.dot(xs_ref[...], w_ref[0], preferred_element_type=jnp.float32)
    t = (t + b_ref[0]) * ws_ref[0][0][:, None]
    r = m * _BM + lax.broadcasted_iota(jnp.int32, (_BM, 1), 0)
    t = jnp.where((r >= lo) & (r < hi), t, 0.0)
    first = (g == 0) | (m != mb_ref[jnp.maximum(g - 1, 0)])

    @pl.when(first)
    def _():
        out_ref[...] = t

    @pl.when(jnp.logical_not(first))
    def _():
        out_ref[...] += t


def _moe_grouped(xs, ws, W, b, mblk, eidx, lo, hi):
    n, d = xs.shape
    e = W.shape[0]
    nblk = n // _BM
    g_tot = nblk + e - 1
    ws3 = ws.reshape(nblk, 1, _BM)
    grid_spec = pltpu.PrefetchScalarGridSpec(
        num_scalar_prefetch=4,
        grid=(g_tot,),
        in_specs=[
            pl.BlockSpec((_BM, d), lambda g, mb, eb, lo, hi: (mb[g], 0)),
            pl.BlockSpec((1, d, d), lambda g, mb, eb, lo, hi: (eb[g], 0, 0)),
            pl.BlockSpec((1, 1, d), lambda g, mb, eb, lo, hi: (eb[g], 0, 0)),
            pl.BlockSpec((1, 1, _BM), lambda g, mb, eb, lo, hi: (mb[g], 0, 0)),
        ],
        out_specs=pl.BlockSpec((_BM, d), lambda g, mb, eb, lo, hi: (mb[g], 0)),
    )
    return pl.pallas_call(
        _moe_body,
        grid_spec=grid_spec,
        out_shape=jax.ShapeDtypeStruct((n, d), jnp.float32),
    )(mblk, eidx, lo, hi, xs, W, b.reshape(e, 1, d), ws3)


def _sc_scatter_in(x2, wts, dst):
    n, d = x2.shape
    xdt = x2.dtype
    rpw = n // _NW
    ch = 32
    nch = rpw // ch
    mesh = plsc.VectorSubcoreMesh(core_axis_name="c", subcore_axis_name="s")

    @functools.partial(
        pl.kernel, mesh=mesh,
        out_type=[jax.ShapeDtypeStruct((n, d), xdt),
                  jax.ShapeDtypeStruct((n,), jnp.float32)],
        scratch_types=[
            pltpu.VMEM((nch, ch), jnp.int32),
            pltpu.VMEM((ch, d), xdt),
            pltpu.VMEM((ch, d), xdt),
            pltpu.VMEM((ch, d), xdt),
            pltpu.VMEM((rpw,), jnp.float32),
            pltpu.VMEM((rpw,), jnp.int32),
            pltpu.SemaphoreType.DMA,
            pltpu.SemaphoreType.DMA,
            pltpu.SemaphoreType.DMA,
            pltpu.SemaphoreType.DMA,
            pltpu.SemaphoreType.DMA,
            pltpu.SemaphoreType.DMA,
            pltpu.SemaphoreType.DMA,
        ],
    )
    def k(x_hbm, wts_hbm, dst_hbm, dst2_hbm, xs_hbm, ws_hbm,
          idx_v, buf0, buf1, buf2, wbuf_v, widx_v,
          ls0, ls1, ls2, ss0, ss1, ss2, semw):
        wid = lax.axis_index("s") * _NC + lax.axis_index("c")
        base = wid * rpw
        pltpu.sync_copy(dst2_hbm.at[pl.ds(wid * nch, nch)], idx_v)
        pltpu.sync_copy(dst_hbm.at[pl.ds(base, rpw)], widx_v)
        pltpu.sync_copy(wts_hbm.at[pl.ds(base, rpw)], wbuf_v)
        wcp = pltpu.async_copy(wbuf_v, ws_hbm.at[widx_v], semw)
        bufs = (buf0, buf1, buf2)
        lsems = (ls0, ls1, ls2)
        ssems = (ss0, ss1, ss2)
        ld = [None] * nch
        st = [None] * nch
        for c in range(min(3, nch)):
            ld[c] = pltpu.async_copy(x_hbm.at[pl.ds(base + c * ch, ch)],
                                     bufs[c % 3], lsems[c % 3])
        for c in range(nch):
            ld[c].wait()
            st[c] = pltpu.async_copy(bufs[c % 3], xs_hbm.at[idx_v.at[c]],
                                     ssems[c % 3])
            nxt = c + 3
            if nxt < nch:
                st[c].wait()
                ld[nxt] = pltpu.async_copy(
                    x_hbm.at[pl.ds(base + nxt * ch, ch)],
                    bufs[nxt % 3], lsems[nxt % 3])
        wcp.wait()
        for c in range(max(nch - 3, 0), nch):
            st[c].wait()

    return k(x2, wts, dst, dst.reshape(n // ch, ch))


def _sc_gather_out(ys, dst):
    n, d = ys.shape
    rpw = n // _NW
    ch = 32
    nch = rpw // ch
    mesh = plsc.VectorSubcoreMesh(core_axis_name="c", subcore_axis_name="s")

    @functools.partial(
        pl.kernel, mesh=mesh,
        out_type=jax.ShapeDtypeStruct((n, d), jnp.float32),
        scratch_types=[
            pltpu.VMEM((rpw,), jnp.int32),
            pltpu.VMEM((ch, d), jnp.float32),
            pltpu.VMEM((ch, d), jnp.float32),
            pltpu.VMEM((ch, d), jnp.float32),
            pltpu.SemaphoreType.DMA,
            pltpu.SemaphoreType.DMA,
            pltpu.SemaphoreType.DMA,
            pltpu.SemaphoreType.DMA,
            pltpu.SemaphoreType.DMA,
            pltpu.SemaphoreType.DMA,
        ],
    )
    def k(ys_hbm, dst_hbm, out_hbm, idx_v, buf0, buf1, buf2,
          ls0, ls1, ls2, ss0, ss1, ss2):
        wid = lax.axis_index("s") * _NC + lax.axis_index("c")
        base = wid * rpw
        pltpu.sync_copy(dst_hbm.at[pl.ds(base, rpw)], idx_v)
        bufs = (buf0, buf1, buf2)
        lsems = (ls0, ls1, ls2)
        ssems = (ss0, ss1, ss2)
        ld = [None] * nch
        st = [None] * nch
        for c in range(min(3, nch)):
            ld[c] = pltpu.async_copy(
                ys_hbm.at[idx_v.at[pl.ds(c * ch, ch)]], bufs[c % 3],
                lsems[c % 3])
        for c in range(nch):
            ld[c].wait()
            st[c] = pltpu.async_copy(
                bufs[c % 3], out_hbm.at[pl.ds(base + c * ch, ch)],
                ssems[c % 3])
            nxt = c + 3
            if nxt < nch:
                st[c].wait()
                ld[nxt] = pltpu.async_copy(
                    ys_hbm.at[idx_v.at[pl.ds(nxt * ch, ch)]],
                    bufs[nxt % 3], lsems[nxt % 3])
        for c in range(max(nch - 3, 0), nch):
            st[c].wait()

    return k(ys, dst)


def kernel(x, Wr, br, W, b):
    bsz, t, d = x.shape
    e = Wr.shape[1]
    n = bsz * t
    x2 = x.reshape(n, d)

    wts, dst, counts = _router_dispatch(x2, Wr, br)
    mblk, eidx, lo, hi = _step_tables(counts, n, e)
    xs, ws = _sc_scatter_in(x2, wts, dst)
    ys = _moe_grouped(xs, ws, W, b, mblk, eidx, lo, hi)
    out2 = _sc_gather_out(ys, dst)
    return out2.reshape(bsz, t, d)

# --- scband reference (transcript-rebuilt; emitter-appended) ---
"""Pipeline reference for scband-top1-mo-e-50946902065583 (READ-ONLY COPY).

The authoritative reference and input builder live on the scoring server;
editing this copy changes nothing except your own understanding.
"""

import jax, jax.numpy as jnp
import numpy as np

N_EXPERTS = 16
D_MODEL = 1024
BATCH = 2
N_CTX = 2048


def setup_inputs(seed: int = 0) -> dict:
    key = jax.random.key(seed)
    ks = jax.random.split(key, 5)
    x = jax.random.normal(ks[0], (BATCH, N_CTX, D_MODEL), dtype=jnp.float32)
    Wr = jax.random.normal(ks[1], (D_MODEL, N_EXPERTS), dtype=jnp.float32) * 0.02
    br = jax.random.normal(ks[2], (N_EXPERTS,), dtype=jnp.float32) * 0.02
    W = jax.random.normal(ks[3], (N_EXPERTS, D_MODEL, D_MODEL), dtype=jnp.float32) * 0.02
    b = jax.random.normal(ks[4], (N_EXPERTS, D_MODEL), dtype=jnp.float32) * 0.02
    return {"x": x, "Wr": Wr, "br": br, "W": W, "b": b}


def reference(x, Wr, br, W, b):
    # Top1Router: linear classifier -> softmax -> max (weight) + argmax (expert idx)
    logits = jnp.einsum('btd,de->bte', x, Wr) + br
    probs = jax.nn.softmax(logits, axis=-1)
    weights = jnp.max(probs, axis=-1)            # [B, T]
    expert_indices = jnp.argmax(probs, axis=-1)  # [B, T]
    # Top1MoE: route each token to its top-1 expert, scale by routing weight
    out = jnp.zeros_like(x)
    for i in range(N_EXPERTS):
        mask = (expert_indices == i)             # [B, T]
        expert_out = jnp.einsum('btd,df->btf', x, W[i]) + b[i]
        out = jnp.where(mask[..., None], expert_out * weights[..., None], out)
    return out

if __name__ == "__main__":
    import jax
    _d = setup_inputs()
    print(jax.jit(kernel)(*tuple(_d.values())))

</pallas_src>

<mosaic_0001>
#map = affine_map<(d0, d1) -> (0, 0)>
#map1 = affine_map<(d0, d1) -> (0)>
module attributes {stable_mosaic.version = 14 : i64} {
  func.func @k(%arg0: i32, %arg1: i32, %arg2: memref<4096x1024xf32, #tpu.memory_space<hbm>>, %arg3: memref<4096xi32, #tpu.memory_space<hbm>>, %arg4: memref<4096x1024xf32, #tpu.memory_space<hbm>>, %arg5: memref<128xi32, #tpu.memory_space<vmem>>, %arg6: memref<32x1024xf32, #tpu.memory_space<vmem>>, %arg7: memref<32x1024xf32, #tpu.memory_space<vmem>>, %arg8: memref<32x1024xf32, #tpu.memory_space<vmem>>, %arg9: memref<!tpu.dma_semaphore, #tpu.memory_space<semaphore_mem>>, %arg10: memref<!tpu.dma_semaphore, #tpu.memory_space<semaphore_mem>>, %arg11: memref<!tpu.dma_semaphore, #tpu.memory_space<semaphore_mem>>, %arg12: memref<!tpu.dma_semaphore, #tpu.memory_space<semaphore_mem>>, %arg13: memref<!tpu.dma_semaphore, #tpu.memory_space<semaphore_mem>>, %arg14: memref<!tpu.dma_semaphore, #tpu.memory_space<semaphore_mem>>) attributes {dimension_semantics = [#tpu.dimension_semantics<core_parallel>, #tpu.dimension_semantics<subcore_parallel>], iteration_bounds = array<i64: 2, 16>, scalar_prefetch = 0 : i64, scratch_operands = 10 : i64, tpu.core_type = #tpu.core_type<sc_vector_subcore>, window_params = [{transform_indices = #map}, {transform_indices = #map1}, {transform_indices = #map}]} {
    %mul3A = arith.constant 2 : i32
    %mul3A_0 = arith.muli %arg1, %mul3A : i32
    %add3A = arith.addi %mul3A_0, %arg0 : i32
    %mul3A_1 = arith.constant 128 : i32
    %mul3A_2 = arith.muli %add3A, %mul3A_1 : i32
    "tpu.region"() ({
      %run_scoped3A = tpu.sem_alloc : memref<!tpu.dma_semaphore, #tpu.memory_space<semaphore_mem>>
      %dma_start3A_81 = tpu.memref_slice %arg3[%mul3A_2] : memref<4096xi32, #tpu.memory_space<hbm>> -> memref<128xi32, #tpu.memory_space<hbm>>
      %dma_start3A_82 = tpu.memref_slice %arg3[%mul3A_2] : memref<4096xi32, #tpu.memory_space<hbm>> -> memref<128xi32, #tpu.memory_space<hbm>>
      tpu.enqueue_dma source(%dma_start3A_82 : memref<128xi32, #tpu.memory_space<hbm>>) target(%arg5 : memref<128xi32, #tpu.memory_space<vmem>>) target_semaphore(%run_scoped3A : memref<!tpu.dma_semaphore, #tpu.memory_space<semaphore_mem>>)
      %dma_wait3A_83 = tpu.memref_slice %arg3[%mul3A_2] : memref<4096xi32, #tpu.memory_space<hbm>> -> memref<128xi32, #tpu.memory_space<hbm>>
      %dma_wait3A_84 = tpu.memref_slice %arg3[%mul3A_2] : memref<4096xi32, #tpu.memory_space<hbm>> -> memref<128xi32, #tpu.memory_space<hbm>>
      tpu.wait_dma2 semaphore(%run_scoped3A : memref<!tpu.dma_semaphore, #tpu.memory_space<semaphore_mem>>) src(%dma_wait3A_84 : memref<128xi32, #tpu.memory_space<hbm>>) dst(%arg5 : memref<128xi32, #tpu.memory_space<vmem>>)
      tpu.yield
    }) : () -> ()
    %dma_start3A = arith.constant 0 : i32
    %dma_start3A_3 = tpu.memref_slice %arg5[%dma_start3A] : memref<128xi32, #tpu.memory_space<vmem>> -> memref<32xi32, #tpu.memory_space<vmem>>
    %dma_start3A_4 = arith.constant 0 : i32
    %dma_start3A_5 = arith.constant 0 : i32
    %dma_start3A_6 = tpu.memref_slice %arg2[%dma_start3A_4, %dma_start3A_5] : memref<4096x1024xf32, #tpu.memory_space<hbm>> -> memref<4096x1024xf32, #tpu.memory_space<hbm>>
    tpu.enqueue_indirect_dma source(%dma_start3A_6 : memref<4096x1024xf32, #tpu.memory_space<hbm>>) target(%arg6 : memref<32x1024xf32, #tpu.memory_space<vmem>>) offsets(%dma_start3A_3 : memref<32xi32, #tpu.memory_space<vmem>>) semaphore(%arg9 : memref<!tpu.dma_semaphore, #tpu.memory_space<semaphore_mem>>)
    %dma_start3A_7 = arith.constant 32 : i32
    %dma_start3A_8 = tpu.memref_slice %arg5[%dma_start3A_7] : memref<128xi32, #tpu.memory_space<vmem>> -> memref<32xi32, #tpu.memory_space<vmem>>
    %dma_start3A_9 = arith.constant 0 : i32
    %dma_start3A_10 = arith.constant 0 : i32
    %dma_start3A_11 = tpu.memref_slice %arg2[%dma_start3A_9, %dma_start3A_10] : memref<4096x1024xf32, #tpu.memory_space<hbm>> -> memref<4096x1024xf32, #tpu.memory_space<hbm>>
    tpu.enqueue_indirect_dma source(%dma_start3A_11 : memref<4096x1024xf32, #tpu.memory_space<hbm>>) target(%arg7 : memref<32x1024xf32, #tpu.memory_space<vmem>>) offsets(%dma_start3A_8 : memref<32xi32, #tpu.memory_space<vmem>>) semaphore(%arg10 : memref<!tpu.dma_semaphore, #tpu.memory_space<semaphore_mem>>)
    %dma_start3A_12 = arith.constant 64 : i32
    %dma_start3A_13 = tpu.memref_slice %arg5[%dma_start3A_12] : memref<128xi32, #tpu.memory_space<vmem>> -> memref<32xi32, #tpu.memory_space<vmem>>
    %dma_start3A_14 = arith.constant 0 : i32
    %dma_start3A_15 = arith.constant 0 : i32
    %dma_start3A_16 = tpu.memref_slice %arg2[%dma_start3A_14, %dma_start3A_15] : memref<4096x1024xf32, #tpu.memory_space<hbm>> -> memref<4096x1024xf32, #tpu.memory_space<hbm>>
    tpu.enqueue_indirect_dma source(%dma_start3A_16 : memref<4096x1024xf32, #tpu.memory_space<hbm>>) target(%arg8 : memref<32x1024xf32, #tpu.memory_space<vmem>>) offsets(%dma_start3A_13 : memref<32xi32, #tpu.memory_space<vmem>>) semaphore(%arg11 : memref<!tpu.dma_semaphore, #tpu.memory_space<semaphore_mem>>)
    %dma_wait3A = arith.constant 0 : i32
    %dma_wait3A_17 = tpu.memref_slice %arg5[%dma_wait3A] : memref<128xi32, #tpu.memory_space<vmem>> -> memref<32xi32, #tpu.memory_space<vmem>>
    %dma_wait3A_18 = arith.constant 0 : i32
    %dma_wait3A_19 = arith.constant 0 : i32
    %dma_wait3A_20 = tpu.memref_slice %arg2[%dma_wait3A_18, %dma_wait3A_19] : memref<4096x1024xf32, #tpu.memory_space<hbm>> -> memref<4096x1024xf32, #tpu.memory_space<hbm>>
    tpu.wait_indirect_dma semaphore(%arg9 : memref<!tpu.dma_semaphore, #tpu.memory_space<semaphore_mem>>) src(%dma_wait3A_20 : memref<4096x1024xf32, #tpu.memory_space<hbm>>) dst(%arg6 : memref<32x1024xf32, #tpu.memory_space<vmem>>)
    %add3A_21 = arith.constant 0 : i32
    %add3A_22 = arith.addi %mul3A_2, %add3A_21 : i32
    %dma_start3A_23 = arith.constant 0 : i32
    %dma_start3A_24 = tpu.memref_slice %arg4[%add3A_22, %dma_start3A_23] : memref<4096x1024xf32, #tpu.memory_space<hbm>> -> memref<32x1024xf32, #tpu.memory_space<hbm>>
    %dma_start3A_25 = arith.constant 0 : i32
    %dma_start3A_26 = tpu.memref_slice %arg4[%add3A_22, %dma_start3A_25] : memref<4096x1024xf32, #tpu.memory_space<hbm>> -> memref<32x1024xf32, #tpu.memory_space<hbm>>
    tpu.enqueue_dma source(%arg6 : memref<32x1024xf32, #tpu.memory_space<vmem>>) target(%dma_start3A_26 : memref<32x1024xf32, #tpu.memory_space<hbm>>) target_semaphore(%arg12 : memref<!tpu.dma_semaphore, #tpu.memory_space<semaphore_mem>>)
    %dma_wait3A_27 = arith.constant 0 : i32
    %dma_wait3A_28 = tpu.memref_slice %arg4[%add3A_22, %dma_wait3A_27] : memref<4096x1024xf32, #tpu.memory_space<hbm>> -> memref<32x1024xf32, #tpu.memory_space<hbm>>
    %dma_wait3A_29 = arith.constant 0 : i32
    %dma_wait3A_30 = tpu.memref_slice %arg4[%add3A_22, %dma_wait3A_29] : memref<4096x1024xf32, #tpu.memory_space<hbm>> -> memref<32x1024xf32, #tpu.memory_space<hbm>>
    tpu.wait_dma2 semaphore(%arg12 : memref<!tpu.dma_semaphore, #tpu.memory_space<semaphore_mem>>) src(%arg6 : memref<32x1024xf32, #tpu.memory_space<vmem>>) dst(%dma_wait3A_30 : memref<32x1024xf32, #tpu.memory_space<hbm>>)
    %dma_start3A_31 = arith.constant 96 : i32
    %dma_start3A_32 = tpu.memref_slice %arg5[%dma_start3A_31] : memref<128xi32, #tpu.memory_space<vmem>> -> memref<32xi32, #tpu.memory_space<vmem>>
    %dma_start3A_33 = arith.constant 0 : i32
    %dma_start3A_34 = arith.constant 0 : i32
    %dma_start3A_35 = tpu.memref_slice %arg2[%dma_start3A_33, %dma_start3A_34] : memref<4096x1024xf32, #tpu.memory_space<hbm>> -> memref<4096x1024xf32, #tpu.memory_space<hbm>>
    tpu.enqueue_indirect_dma source(%dma_start3A_35 : memref<4096x1024xf32, #tpu.memory_space<hbm>>) target(%arg6 : memref<32x1024xf32, #tpu.memory_space<vmem>>) offsets(%dma_start3A_32 : memref<32xi32, #tpu.memory_space<vmem>>) semaphore(%arg9 : memref<!tpu.dma_semaphore, #tpu.memory_space<semaphore_mem>>)
    %dma_wait3A_36 = arith.constant 32 : i32
    %dma_wait3A_37 = tpu.memref_slice %arg5[%dma_wait3A_36] : memref<128xi32, #tpu.memory_space<vmem>> -> memref<32xi32, #tpu.memory_space<vmem>>
    %dma_wait3A_38 = arith.constant 0 : i32
    %dma_wait3A_39 = arith.constant 0 : i32
    %dma_wait3A_40 = tpu.memref_slice %arg2[%dma_wait3A_38, %dma_wait3A_39] : memref<4096x1024xf32, #tpu.memory_space<hbm>> -> memref<4096x1024xf32, #tpu.memory_space<hbm>>
    tpu.wait_indirect_dma semaphore(%arg10 : memref<!tpu.dma_semaphore, #tpu.memory_space<semaphore_mem>>) src(%dma_wait3A_40 : memref<4096x1024xf32, #tpu.memory_space<hbm>>) dst(%arg7 : memref<32x1024xf32, #tpu.memory_space<vmem>>)
    %add3A_41 = arith.constant 32 : i32
    %add3A_42 = arith.addi %mul3A_2, %add3A_41 : i32
    %dma_start3A_43 = arith.constant 0 : i32
    %dma_start3A_44 = tpu.memref_slice %arg4[%add3A_42, %dma_start3A_43] : memref<4096x1024xf32, #tpu.memory_space<hbm>> -> memref<32x1024xf32, #tpu.memory_space<hbm>>
    %dma_start3A_45 = arith.constant 0 : i32
    %dma_start3A_46 = tpu.memref_slice %arg4[%add3A_42, %dma_start3A_45] : memref<4096x1024xf32, #tpu.memory_space<hbm>> -> memref<32x1024xf32, #tpu.memory_space<hbm>>
    tpu.enqueue_dma source(%arg7 : memref<32x1024xf32, #tpu.memory_space<vmem>>) target(%dma_start3A_46 : memref<32x1024xf32, #tpu.memory_space<hbm>>) target_semaphore(%arg13 : memref<!tpu.dma_semaphore, #tpu.memory_space<semaphore_mem>>)
    %dma_wait3A_47 = arith.constant 64 : i32
    %dma_wait3A_48 = tpu.memref_slice %arg5[%dma_wait3A_47] : memref<128xi32, #tpu.memory_space<vmem>> -> memref<32xi32, #tpu.memory_space<vmem>>
    %dma_wait3A_49 = arith.constant 0 : i32
    %dma_wait3A_50 = arith.constant 0 : i32
    %dma_wait3A_51 = tpu.memref_slice %arg2[%dma_wait3A_49, %dma_wait3A_50] : memref<4096x1024xf32, #tpu.memory_space<hbm>> -> memref<4096x1024xf32, #tpu.memory_space<hbm>>
    tpu.wait_indirect_dma semaphore(%arg11 : memref<!tpu.dma_semaphore, #tpu.memory_space<semaphore_mem>>) src(%dma_wait3A_51 : memref<4096x1024xf32, #tpu.memory_space<hbm>>) dst(%arg8 : memref<32x1024xf32, #tpu.memory_space<vmem>>)
    %add3A_52 = arith.constant 64 : i32
    %add3A_53 = arith.addi %mul3A_2, %add3A_52 : i32
    %dma_start3A_54 = arith.constant 0 : i32
    %dma_start3A_55 = tpu.memref_slice %arg4[%add3A_53, %dma_start3A_54] : memref<4096x1024xf32, #tpu.memory_space<hbm>> -> memref<32x1024xf32, #tpu.memory_space<hbm>>
    %dma_start3A_56 = arith.constant 0 : i32
    %dma_start3A_57 = tpu.memref_slice %arg4[%add3A_53, %dma_start3A_56] : memref<4096x1024xf32, #tpu.memory_space<hbm>> -> memref<32x1024xf32, #tpu.memory_space<hbm>>
    tpu.enqueue_dma source(%arg8 : memref<32x1024xf32, #tpu.memory_space<vmem>>) target(%dma_start3A_57 : memref<32x1024xf32, #tpu.memory_space<hbm>>) target_semaphore(%arg14 : memref<!tpu.dma_semaphore, #tpu.memory_space<semaphore_mem>>)
    %dma_wait3A_58 = arith.constant 96 : i32
    %dma_wait3A_59 = tpu.memref_slice %arg5[%dma_wait3A_58] : memref<128xi32, #tpu.memory_space<vmem>> -> memref<32xi32, #tpu.memory_space<vmem>>
    %dma_wait3A_60 = arith.constant 0 : i32
    %dma_wait3A_61 = arith.constant 0 : i32
    %dma_wait3A_62 = tpu.memref_slice %arg2[%dma_wait3A_60, %dma_wait3A_61] : memref<4096x1024xf32, #tpu.memory_space<hbm>> -> memref<4096x1024xf32, #tpu.memory_space<hbm>>
    tpu.wait_indirect_dma semaphore(%arg9 : memref<!tpu.dma_semaphore, #tpu.memory_space<semaphore_mem>>) src(%dma_wait3A_62 : memref<4096x1024xf32, #tpu.memory_space<hbm>>) dst(%arg6 : memref<32x1024xf32, #tpu.memory_space<vmem>>)
    %add3A_63 = arith.constant 96 : i32
    %add3A_64 = arith.addi %mul3A_2, %add3A_63 : i32
    %dma_start3A_65 = arith.constant 0 : i32
    %dma_start3A_66 = tpu.memref_slice %arg4[%add3A_64, %dma_start3A_65] : memref<4096x1024xf32, #tpu.memory_space<hbm>> -> memref<32x1024xf32, #tpu.memory_space<hbm>>
    %dma_start3A_67 = arith.constant 0 : i32
    %dma_start3A_68 = tpu.memref_slice %arg4[%add3A_64, %dma_start3A_67] : memref<4096x1024xf32, #tpu.memory_space<hbm>> -> memref<32x1024xf32, #tpu.memory_space<hbm>>
    tpu.enqueue_dma source(%arg6 : memref<32x1024xf32, #tpu.memory_space<vmem>>) target(%dma_start3A_68 : memref<32x1024xf32, #tpu.memory_space<hbm>>) target_semaphore(%arg12 : memref<!tpu.dma_semaphore, #tpu.memory_space<semaphore_mem>>)
    %dma_wait3A_69 = arith.constant 0 : i32
    %dma_wait3A_70 = tpu.memref_slice %arg4[%add3A_42, %dma_wait3A_69] : memref<4096x1024xf32, #tpu.memory_space<hbm>> -> memref<32x1024xf32, #tpu.memory_space<hbm>>
    %dma_wait3A_71 = arith.constant 0 : i32
    %dma_wait3A_72 = tpu.memref_slice %arg4[%add3A_42, %dma_wait3A_71] : memref<4096x1024xf32, #tpu.memory_space<hbm>> -> memref<32x1024xf32, #tpu.memory_space<hbm>>
    tpu.wait_dma2 semaphore(%arg13 : memref<!tpu.dma_semaphore, #tpu.memory_space<semaphore_mem>>) src(%arg7 : memref<32x1024xf32, #tpu.memory_space<vmem>>) dst(%dma_wait3A_72 : memref<32x1024xf32, #tpu.memory_space<hbm>>)
    %dma_wait3A_73 = arith.constant 0 : i32
    %dma_wait3A_74 = tpu.memref_slice %arg4[%add3A_53, %dma_wait3A_73] : memref<4096x1024xf32, #tpu.memory_space<hbm>> -> memref<32x1024xf32, #tpu.memory_space<hbm>>
    %dma_wait3A_75 = arith.constant 0 : i32
    %dma_wait3A_76 = tpu.memref_slice %arg4[%add3A_53, %dma_wait3A_75] : memref<4096x1024xf32, #tpu.memory_space<hbm>> -> memref<32x1024xf32, #tpu.memory_space<hbm>>
    tpu.wait_dma2 semaphore(%arg14 : memref<!tpu.dma_semaphore, #tpu.memory_space<semaphore_mem>>) src(%arg8 : memref<32x1024xf32, #tpu.memory_space<vmem>>) dst(%dma_wait3A_76 : memref<32x1024xf32, #tpu.memory_space<hbm>>)
    %dma_wait3A_77 = arith.constant 0 : i32
    %dma_wait3A_78 = tpu.memref_slice %arg4[%add3A_64, %dma_wait3A_77] : memref<4096x1024xf32, #tpu.memory_space<hbm>> -> memref<32x1024xf32, #tpu.memory_space<hbm>>
    %dma_wait3A_79 = arith.constant 0 : i32
    %dma_wait3A_80 = tpu.memref_slice %arg4[%add3A_64, %dma_wait3A_79] : memref<4096x1024xf32, #tpu.memory_space<hbm>> -> memref<32x1024xf32, #tpu.memory_space<hbm>>
    tpu.wait_dma2 semaphore(%arg12 : memref<!tpu.dma_semaphore, #tpu.memory_space<semaphore_mem>>) src(%arg6 : memref<32x1024xf32, #tpu.memory_space<vmem>>) dst(%dma_wait3A_80 : memref<32x1024xf32, #tpu.memory_space<hbm>>)
    return
  }
}

#map = affine_map<(d0, d1) -> (0, 0)>
#map1 = affine_map<(d0, d1) -> (0)>
module attributes {stable_mosaic.version = 14 : i64} {
  func.func @k(%arg0: i32, %arg1: i32, %arg2: memref<4096x1024xf32, #tpu.memory_space<hbm>>, %arg3: memref<4096xf32, #tpu.memory_space<hbm>>, %arg4: memref<4096xi32, #tpu.memory_space<hbm>>, %arg5: memref<128x32xi32, #tpu.memory_space<hbm>>, %arg6: memref<4096x1024xf32, #tpu.memory_space<hbm>>, %arg7: memref<4096xf32, #tpu.memory_space<hbm>>, %arg8: memref<4x32xi32, #tpu.memory_space<vmem>>, %arg9: memref<32x1024xf32, #tpu.memory_space<vmem>>, %arg10: memref<32x1024xf32, #tpu.memory_space<vmem>>, %arg11: memref<32x1024xf32, #tpu.memory_space<vmem>>, %arg12: memref<128xf32, #tpu.memory_space<vmem>>, %arg13: memref<128xi32, #tpu.memory_space<vmem>>, %arg14: memref<!tpu.dma_semaphore, #tpu.memory_space<semaphore_mem>>, %arg15: memref<!tpu.dma_semaphore, #tpu.memory_space<semaphore_mem>>, %arg16: memref<!tpu.dma_semaphore, #tpu.memory_space<semaphore_mem>>, %arg17: memref<!tpu.dma_semaphore, #tpu.memory_space<semaphore_mem>>, %arg18: memref<!tpu.dma_semaphore, #tpu.memory_space<semaphore_mem>>, %arg19: memref<!tpu.dma_semaphore, #tpu.memory_space<semaphore_mem>>, %arg20: memref<!tpu.dma_semaphore, #tpu.memory_space<semaphore_mem>>) attributes {dimension_semantics = [#tpu.dimension_semantics<core_parallel>, #tpu.dimension_semantics<subcore_parallel>], iteration_bounds = array<i64: 2, 16>, scalar_prefetch = 0 : i64, scratch_operands = 13 : i64, tpu.core_type = #tpu.core_type<sc_vector_subcore>, window_params = [{transform_indices = #map}, {transform_indices = #map1}, {transform_indices = #map1}, {transform_indices = #map}, {transform_indices = #map}, {transform_indices = #map1}]} {
    %mul3A = arith.constant 2 : i32
    %mul3A_0 = arith.muli %arg1, %mul3A : i32
    %add3A = arith.addi %mul3A_0, %arg0 : i32
    %mul3A_1 = arith.constant 128 : i32
    %mul3A_2 = arith.muli %add3A, %mul3A_1 : i32
    %mul3A_3 = arith.constant 4 : i32
    %mul3A_4 = arith.muli %add3A, %mul3A_3 : i32
    "tpu.region"() ({
      %run_scoped3A = tpu.sem_alloc : memref<!tpu.dma_semaphore, #tpu.memory_space<semaphore_mem>>
      %dma_start3A_103 = arith.constant 0 : i32
      %dma_start3A_104 = tpu.memref_slice %arg5[%mul3A_4, %dma_start3A_103] : memref<128x32xi32, #tpu.memory_space<hbm>> -> memref<4x32xi32, #tpu.memory_space<hbm>>
      %dma_start3A_105 = arith.constant 0 : i32
      %dma_start3A_106 = tpu.memref_slice %arg5[%mul3A_4, %dma_start3A_105] : memref<128x32xi32, #tpu.memory_space<hbm>> -> memref<4x32xi32, #tpu.memory_space<hbm>>
      tpu.enqueue_dma source(%dma_start3A_106 : memref<4x32xi32, #tpu.memory_space<hbm>>) target(%arg8 : memref<4x32xi32, #tpu.memory_space<vmem>>) target_semaphore(%run_scoped3A : memref<!tpu.dma_semaphore, #tpu.memory_space<semaphore_mem>>)
      %dma_wait3A_107 = arith.constant 0 : i32
      %dma_wait3A_108 = tpu.memref_slice %arg5[%mul3A_4, %dma_wait3A_107] : memref<128x32xi32, #tpu.memory_space<hbm>> -> memref<4x32xi32, #tpu.memory_space<hbm>>
      %dma_wait3A_109 = arith.constant 0 : i32
      %dma_wait3A_110 = tpu.memref_slice %arg5[%mul3A_4, %dma_wait3A_109] : memref<128x32xi32, #tpu.memory_space<hbm>> -> memref<4x32xi32, #tpu.memory_space<hbm>>
      tpu.wait_dma2 semaphore(%run_scoped3A : memref<!tpu.dma_semaphore, #tpu.memory_space<semaphore_mem>>) src(%dma_wait3A_110 : memref<4x32xi32, #tpu.memory_space<hbm>>) dst(%arg8 : memref<4x32xi32, #tpu.memory_space<vmem>>)
      tpu.yield
    }) : () -> ()
    "tpu.region"() ({
      %run_scoped3A = tpu.sem_alloc : memref<!tpu.dma_semaphore, #tpu.memory_space<semaphore_mem>>
      %dma_start3A_103 = tpu.memref_slice %arg4[%mul3A_2] : memref<4096xi32, #tpu.memory_space<hbm>> -> memref<128xi32, #tpu.memory_space<hbm>>
      %dma_start3A_104 = tpu.memref_slice %arg4[%mul3A_2] : memref<4096xi32, #tpu.memory_space<hbm>> -> memref<128xi32, #tpu.memory_space<hbm>>
      tpu.enqueue_dma source(%dma_start3A_104 : memref<128xi32, #tpu.memory_space<hbm>>) target(%arg13 : memref<128xi32, #tpu.memory_space<vmem>>) target_semaphore(%run_scoped3A : memref<!tpu.dma_semaphore, #tpu.memory_space<semaphore_mem>>)
      %dma_wait3A_105 = tpu.memref_slice %arg4[%mul3A_2] : memref<4096xi32, #tpu.memory_space<hbm>> -> memref<128xi32, #tpu.memory_space<hbm>>
      %dma_wait3A_106 = tpu.memref_slice %arg4[%mul3A_2] : memref<4096xi32, #tpu.memory_space<hbm>> -> memref<128xi32, #tpu.memory_space<hbm>>
      tpu.wait_dma2 semaphore(%run_scoped3A : memref<!tpu.dma_semaphore, #tpu.memory_space<semaphore_mem>>) src(%dma_wait3A_106 : memref<128xi32, #tpu.memory_space<hbm>>) dst(%arg13 : memref<128xi32, #tpu.memory_space<vmem>>)
      tpu.yield
    }) : () -> ()
    "tpu.region"() ({
      %run_scoped3A = tpu.sem_alloc : memref<!tpu.dma_semaphore, #tpu.memory_space<semaphore_mem>>
      %dma_start3A_103 = tpu.memref_slice %arg3[%mul3A_2] : memref<4096xf32, #tpu.memory_space<hbm>> -> memref<128xf32, #tpu.memory_space<hbm>>
      %dma_start3A_104 = tpu.memref_slice %arg3[%mul3A_2] : memref<4096xf32, #tpu.memory_space<hbm>> -> memref<128xf32, #tpu.memory_space<hbm>>
      tpu.enqueue_dma source(%dma_start3A_104 : memref<128xf32, #tpu.memory_space<hbm>>) target(%arg12 : memref<128xf32, #tpu.memory_space<vmem>>) target_semaphore(%run_scoped3A : memref<!tpu.dma_semaphore, #tpu.memory_space<semaphore_mem>>)
      %dma_wait3A_105 = tpu.memref_slice %arg3[%mul3A_2] : memref<4096xf32, #tpu.memory_space<hbm>> -> memref<128xf32, #tpu.memory_space<hbm>>
      %dma_wait3A_106 = tpu.memref_slice %arg3[%mul3A_2] : memref<4096xf32, #tpu.memory_space<hbm>> -> memref<128xf32, #tpu.memory_space<hbm>>
      tpu.wait_dma2 semaphore(%run_scoped3A : memref<!tpu.dma_semaphore, #tpu.memory_space<semaphore_mem>>) src(%dma_wait3A_106 : memref<128xf32, #tpu.memory_space<hbm>>) dst(%arg12 : memref<128xf32, #tpu.memory_space<vmem>>)
      tpu.yield
    }) : () -> ()
    %dma_start3A = arith.constant 0 : i32
    %dma_start3A_5 = tpu.memref_slice %arg7[%dma_start3A] : memref<4096xf32, #tpu.memory_space<hbm>> -> memref<4096xf32, #tpu.memory_space<hbm>>
    tpu.enqueue_indirect_dma source(%arg12 : memref<128xf32, #tpu.memory_space<vmem>>) target(%dma_start3A_5 : memref<4096xf32, #tpu.memory_space<hbm>>) offsets(%arg13 : memref<128xi32, #tpu.memory_space<vmem>>) semaphore(%arg20 : memref<!tpu.dma_semaphore, #tpu.memory_space<semaphore_mem>>)
    %add3A_6 = arith.constant 0 : i32
    %add3A_7 = arith.addi %mul3A_2, %add3A_6 : i32
    %dma_start3A_8 = arith.constant 0 : i32
    %dma_start3A_9 = tpu.memref_slice %arg2[%add3A_7, %dma_start3A_8] : memref<4096x1024xf32, #tpu.memory_space<hbm>> -> memref<32x1024xf32, #tpu.memory_space<hbm>>
    %dma_start3A_10 = arith.constant 0 : i32
    %dma_start3A_11 = tpu.memref_slice %arg2[%add3A_7, %dma_start3A_10] : memref<4096x1024xf32, #tpu.memory_space<hbm>> -> memref<32x1024xf32, #tpu.memory_space<hbm>>
    tpu.enqueue_dma source(%dma_start3A_11 : memref<32x1024xf32, #tpu.memory_space<hbm>>) target(%arg9 : memref<32x1024xf32, #tpu.memory_space<vmem>>) target_semaphore(%arg14 : memref<!tpu.dma_semaphore, #tpu.memory_space<semaphore_mem>>)
    %add3A_12 = arith.constant 32 : i32
    %add3A_13 = arith.addi %mul3A_2, %add3A_12 : i32
    %dma_start3A_14 = arith.constant 0 : i32
    %dma_start3A_15 = tpu.memref_slice %arg2[%add3A_13, %dma_start3A_14] : memref<4096x1024xf32, #tpu.memory_space<hbm>> -> memref<32x1024xf32, #tpu.memory_space<hbm>>
    %dma_start3A_16 = arith.constant 0 : i32
    %dma_start3A_17 = tpu.memref_slice %arg2[%add3A_13, %dma_start3A_16] : memref<4096x1024xf32, #tpu.memory_space<hbm>> -> memref<32x1024xf32, #tpu.memory_space<hbm>>
    tpu.enqueue_dma source(%dma_start3A_17 : memref<32x1024xf32, #tpu.memory_space<hbm>>) target(%arg10 : memref<32x1024xf32, #tpu.memory_space<vmem>>) target_semaphore(%arg15 : memref<!tpu.dma_semaphore, #tpu.memory_space<semaphore_mem>>)
    %add3A_18 = arith.constant 64 : i32
    %add3A_19 = arith.addi %mul3A_2, %add3A_18 : i32
    %dma_start3A_20 = arith.constant 0 : i32
    %dma_start3A_21 = tpu.memref_slice %arg2[%add3A_19, %dma_start3A_20] : memref<4096x1024xf32, #tpu.memory_space<hbm>> -> memref<32x1024xf32, #tpu.memory_space<hbm>>
    %dma_start3A_22 = arith.constant 0 : i32
    %dma_start3A_23 = tpu.memref_slice %arg2[%add3A_19, %dma_start3A_22] : memref<4096x1024xf32, #tpu.memory_space<hbm>> -> memref<32x1024xf32, #tpu.memory_space<hbm>>
    tpu.enqueue_dma source(%dma_start3A_23 : memref<32x1024xf32, #tpu.memory_space<hbm>>) target(%arg11 : memref<32x1024xf32, #tpu.memory_space<vmem>>) target_semaphore(%arg16 : memref<!tpu.dma_semaphore, #tpu.memory_space<semaphore_mem>>)
    %dma_wait3A = arith.constant 0 : i32
    %dma_wait3A_24 = tpu.memref_slice %arg2[%add3A_7, %dma_wait3A] : memref<4096x1024xf32, #tpu.memory_space<hbm>> -> memref<32x1024xf32, #tpu.memory_space<hbm>>
    %dma_wait3A_25 = arith.constant 0 : i32
    %dma_wait3A_26 = tpu.memref_slice %arg2[%add3A_7, %dma_wait3A_25] : memref<4096x1024xf32, #tpu.memory_space<hbm>> -> memref<32x1024xf32, #tpu.memory_space<hbm>>
    tpu.wait_dma2 semaphore(%arg14 : memref<!tpu.dma_semaphore, #tpu.memory_space<semaphore_mem>>) src(%dma_wait3A_26 : memref<32x1024xf32, #tpu.memory_space<hbm>>) dst(%arg9 : memref<32x1024xf32, #tpu.memory_space<vmem>>)
    %dma_start3A_27 = arith.constant 0 : i32
    %dma_start3A_28 = arith.constant 0 : i32
    %dma_start3A_29 = tpu.memref_slice %arg8[%dma_start3A_27, %dma_start3A_28] : memref<4x32xi32, #tpu.memory_space<vmem>> -> memref<1x32xi32, #tpu.memory_space<vmem>>
    %dma_start3A_30 = tpu.memref_squeeze %dma_start3A_29 : memref<1x32xi32, #tpu.memory_space<vmem>> -> memref<32xi32, #tpu.memory_space<vmem>>
    %dma_start3A_31 = arith.constant 0 : i32
    %dma_start3A_32 = arith.constant 0 : i32
    %dma_start3A_33 = tpu.memref_slice %arg6[%dma_start3A_31, %dma_start3A_32] : memref<4096x1024xf32, #tpu.memory_space<hbm>> -> memref<4096x1024xf32, #tpu.memory_space<hbm>>
    tpu.enqueue_indirect_dma source(%arg9 : memref<32x1024xf32, #tpu.memory_space<vmem>>) target(%dma_start3A_33 : memref<4096x1024xf32, #tpu.memory_space<hbm>>) offsets(%dma_start3A_30 : memref<32xi32, #tpu.memory_space<vmem>>) semaphore(%arg17 : memref<!tpu.dma_semaphore, #tpu.memory_space<semaphore_mem>>)
    %dma_wait3A_34 = arith.constant 0 : i32
    %dma_wait3A_35 = arith.constant 0 : i32
    %dma_wait3A_36 = tpu.memref_slice %arg8[%dma_wait3A_34, %dma_wait3A_35] : memref<4x32xi32, #tpu.memory_space<vmem>> -> memref<1x32xi32, #tpu.memory_space<vmem>>
    %dma_wait3A_37 = tpu.memref_squeeze %dma_wait3A_36 : memref<1x32xi32, #tpu.memory_space<vmem>> -> memref<32xi32, #tpu.memory_space<vmem>>
    %dma_wait3A_38 = arith.constant 0 : i32
    %dma_wait3A_39 = arith.constant 0 : i32
    %dma_wait3A_40 = tpu.memref_slice %arg6[%dma_wait3A_38, %dma_wait3A_39] : memref<4096x1024xf32, #tpu.memory_space<hbm>> -> memref<4096x1024xf32, #tpu.memory_space<hbm>>
    tpu.wait_indirect_dma semaphore(%arg17 : memref<!tpu.dma_semaphore, #tpu.memory_space<semaphore_mem>>) src(%arg9 : memref<32x1024xf32, #tpu.memory_space<vmem>>) dst(%dma_wait3A_40 : memref<4096x1024xf32, #tpu.memory_space<hbm>>)
    %add3A_41 = arith.constant 96 : i32
    %add3A_42 = arith.addi %mul3A_2, %add3A_41 : i32
    %dma_start3A_43 = arith.constant 0 : i32
    %dma_start3A_44 = tpu.memref_slice %arg2[%add3A_42, %dma_start3A_43] : memref<4096x1024xf32, #tpu.memory_space<hbm>> -> memref<32x1024xf32, #tpu.memory_space<hbm>>
    %dma_start3A_45 = arith.constant 0 : i32
    %dma_start3A_46 = tpu.memref_slice %arg2[%add3A_42, %dma_start3A_45] : memref<4096x1024xf32, #tpu.memory_space<hbm>> -> memref<32x1024xf32, #tpu.memory_space<hbm>>
    tpu.enqueue_dma source(%dma_start3A_46 : memref<32x1024xf32, #tpu.memory_space<hbm>>) target(%arg9 : memref<32x1024xf32, #tpu.memory_space<vmem>>) target_semaphore(%arg14 : memref<!tpu.dma_semaphore, #tpu.memory_space<semaphore_mem>>)
    %dma_wait3A_47 = arith.constant 0 : i32
    %dma_wait3A_48 = tpu.memref_slice %arg2[%add3A_13, %dma_wait3A_47] : memref<4096x1024xf32, #tpu.memory_space<hbm>> -> memref<32x1024xf32, #tpu.memory_space<hbm>>
    %dma_wait3A_49 = arith.constant 0 : i32
    %dma_wait3A_50 = tpu.memref_slice %arg2[%add3A_13, %dma_wait3A_49] : memref<4096x1024xf32, #tpu.memory_space<hbm>> -> memref<32x1024xf32, #tpu.memory_space<hbm>>
    tpu.wait_dma2 semaphore(%arg15 : memref<!tpu.dma_semaphore, #tpu.memory_space<semaphore_mem>>) src(%dma_wait3A_50 : memref<32x1024xf32, #tpu.memory_space<hbm>>) dst(%arg10 : memref<32x1024xf32, #tpu.memory_space<vmem>>)
    %dma_start3A_51 = arith.constant 1 : i32
    %dma_start3A_52 = arith.constant 0 : i32
    %dma_start3A_53 = tpu.memref_slice %arg8[%dma_start3A_51, %dma_start3A_52] : memref<4x32xi32, #tpu.memory_space<vmem>> -> memref<1x32xi32, #tpu.memory_space<vmem>>
    %dma_start3A_54 = tpu.memref_squeeze %dma_start3A_53 : memref<1x32xi32, #tpu.memory_space<vmem>> -> memref<32xi32, #tpu.memory_space<vmem>>
    %dma_start3A_55 = arith.constant 0 : i32
    %dma_start3A_56 = arith.constant 0 : i32
    %dma_start3A_57 = tpu.memref_slice %arg6[%dma_start3A_55, %dma_start3A_56] : memref<4096x1024xf32, #tpu.memory_space<hbm>> -> memref<4096x1024xf32, #tpu.memory_space<hbm>>
    tpu.enqueue_indirect_dma source(%arg10 : memref<32x1024xf32, #tpu.memory_space<vmem>>) target(%dma_start3A_57 : memref<4096x1024xf32, #tpu.memory_space<hbm>>) offsets(%dma_start3A_54 : memref<32xi32, #tpu.memory_space<vmem>>) semaphore(%arg18 : memref<!tpu.dma_semaphore, #tpu.memory_space<semaphore_mem>>)
    %dma_wait3A_58 = arith.constant 0 : i32
    %dma_wait3A_59 = tpu.memref_slice %arg2[%add3A_19, %dma_wait3A_58] : memref<4096x1024xf32, #tpu.memory_space<hbm>> -> memref<32x1024xf32, #tpu.memory_space<hbm>>
    %dma_wait3A_60 = arith.constant 0 : i32
    %dma_wait3A_61 = tpu.memref_slice %arg2[%add3A_19, %dma_wait3A_60] : memref<4096x1024xf32, #tpu.memory_space<hbm>> -> memref<32x1024xf32, #tpu.memory_space<hbm>>
    tpu.wait_dma2 semaphore(%arg16 : memref<!tpu.dma_semaphore, #tpu.memory_space<semaphore_mem>>) src(%dma_wait3A_61 : memref<32x1024xf32, #tpu.memory_space<hbm>>) dst(%arg11 : memref<32x1024xf32, #tpu.memory_space<vmem>>)
    %dma_start3A_62 = arith.constant 2 : i32
    %dma_start3A_63 = arith.constant 0 : i32
    %dma_start3A_64 = tpu.memref_slice %arg8[%dma_start3A_62, %dma_start3A_63] : memref<4x32xi32, #tpu.memory_space<vmem>> -> memref<1x32xi32, #tpu.memory_space<vmem>>
    %dma_start3A_65 = tpu.memref_squeeze %dma_start3A_64 : memref<1x32xi32, #tpu.memory_space<vmem>> -> memref<32xi32, #tpu.memory_space<vmem>>
    %dma_start3A_66 = arith.constant 0 : i32
    %dma_start3A_67 = arith.constant 0 : i32
    %dma_start3A_68 = tpu.memref_slice %arg6[%dma_start3A_66, %dma_start3A_67] : memref<4096x1024xf32, #tpu.memory_space<hbm>> -> memref<4096x1024xf32, #tpu.memory_space<hbm>>
    tpu.enqueue_indirect_dma source(%arg11 : memref<32x1024xf32, #tpu.memory_space<vmem>>) target(%dma_start3A_68 : memref<4096x1024xf32, #tpu.memory_space<hbm>>) offsets(%dma_start3A_65 : memref<32xi32, #tpu.memory_space<vmem>>) semaphore(%arg19 : memref<!tpu.dma_semaphore, #tpu.memory_space<semaphore_mem>>)
    %dma_wait3A_69 = arith.constant 0 : i32
    %dma_wait3A_70 = tpu.memref_slice %arg2[%add3A_42, %dma_wait3A_69] : memref<4096x1024xf32, #tpu.memory_space<hbm>> -> memref<32x1024xf32, #tpu.memory_space<hbm>>
    %dma_wait3A_71 = arith.constant 0 : i32
    %dma_wait3A_72 = tpu.memref_slice %arg2[%add3A_42, %dma_wait3A_71] : memref<4096x1024xf32, #tpu.memory_space<hbm>> -> memref<32x1024xf32, #tpu.memory_space<hbm>>
    tpu.wait_dma2 semaphore(%arg14 : memref<!tpu.dma_semaphore, #tpu.memory_space<semaphore_mem>>) src(%dma_wait3A_72 : memref<32x1024xf32, #tpu.memory_space<hbm>>) dst(%arg9 : memref<32x1024xf32, #tpu.memory_space<vmem>>)
    %dma_start3A_73 = arith.constant 3 : i32
    %dma_start3A_74 = arith.constant 0 : i32
    %dma_start3A_75 = tpu.memref_slice %arg8[%dma_start3A_73, %dma_start3A_74] : memref<4x32xi32, #tpu.memory_space<vmem>> -> memref<1x32xi32, #tpu.memory_space<vmem>>
    %dma_start3A_76 = tpu.memref_squeeze %dma_start3A_75 : memref<1x32xi32, #tpu.memory_space<vmem>> -> memref<32xi32, #tpu.memory_space<vmem>>
    %dma_start3A_77 = arith.constant 0 : i32
    %dma_start3A_78 = arith.constant 0 : i32
    %dma_start3A_79 = tpu.memref_slice %arg6[%dma_start3A_77, %dma_start3A_78] : memref<4096x1024xf32, #tpu.memory_space<hbm>> -> memref<4096x1024xf32, #tpu.memory_space<hbm>>
    tpu.enqueue_indirect_dma source(%arg9 : memref<32x1024xf32, #tpu.memory_space<vmem>>) target(%dma_start3A_79 : memref<4096x1024xf32, #tpu.memory_space<hbm>>) offsets(%dma_start3A_76 : memref<32xi32, #tpu.memory_space<vmem>>) semaphore(%arg17 : memref<!tpu.dma_semaphore, #tpu.memory_space<semaphore_mem>>)
    %dma_wait3A_80 = arith.constant 0 : i32
    %dma_wait3A_81 = tpu.memref_slice %arg7[%dma_wait3A_80] : memref<4096xf32, #tpu.memory_space<hbm>> -> memref<4096xf32, #tpu.memory_space<hbm>>
    tpu.wait_indirect_dma semaphore(%arg20 : memref<!tpu.dma_semaphore, #tpu.memory_space<semaphore_mem>>) src(%arg12 : memref<128xf32, #tpu.memory_space<vmem>>) dst(%dma_wait3A_81 : memref<4096xf32, #tpu.memory_space<hbm>>)
    %dma_wait3A_82 = arith.constant 1 : i32
    %dma_wait3A_83 = arith.constant 0 : i32
    %dma_wait3A_84 = tpu.memref_slice %arg8[%dma_wait3A_82, %dma_wait3A_83] : memref<4x32xi32, #tpu.memory_space<vmem>> -> memref<1x32xi32, #tpu.memory_space<vmem>>
    %dma_wait3A_85 = tpu.memref_squeeze %dma_wait3A_84 : memref<1x32xi32, #tpu.memory_space<vmem>> -> memref<32xi32, #tpu.memory_space<vmem>>
    %dma_wait3A_86 = arith.constant 0 : i32
    %dma_wait3A_87 = arith.constant 0 : i32
    %dma_wait3A_88 = tpu.memref_slice %arg6[%dma_wait3A_86, %dma_wait3A_87] : memref<4096x1024xf32, #tpu.memory_space<hbm>> -> memref<4096x1024xf32, #tpu.memory_space<hbm>>
    tpu.wait_indirect_dma semaphore(%arg18 : memref<!tpu.dma_semaphore, #tpu.memory_space<semaphore_mem>>) src(%arg10 : memref<32x1024xf32, #tpu.memory_space<vmem>>) dst(%dma_wait3A_88 : memref<4096x1024xf32, #tpu.memory_space<hbm>>)
    %dma_wait3A_89 = arith.constant 2 : i32
    %dma_wait3A_90 = arith.constant 0 : i32
    %dma_wait3A_91 = tpu.memref_slice %arg8[%dma_wait3A_89, %dma_wait3A_90] : memref<4x32xi32, #tpu.memory_space<vmem>> -> memref<1x32xi32, #tpu.memory_space<vmem>>
    %dma_wait3A_92 = tpu.memref_squeeze %dma_wait3A_91 : memref<1x32xi32, #tpu.memory_space<vmem>> -> memref<32xi32, #tpu.memory_space<vmem>>
    %dma_wait3A_93 = arith.constant 0 : i32
    %dma_wait3A_94 = arith.constant 0 : i32
    %dma_wait3A_95 = tpu.memref_slice %arg6[%dma_wait3A_93, %dma_wait3A_94] : memref<4096x1024xf32, #tpu.memory_space<hbm>> -> memref<4096x1024xf32, #tpu.memory_space<hbm>>
    tpu.wait_indirect_dma semaphore(%arg19 : memref<!tpu.dma_semaphore, #tpu.memory_space<semaphore_mem>>) src(%arg11 : memref<32x1024xf32, #tpu.memory_space<vmem>>) dst(%dma_wait3A_95 : memref<4096x1024xf32, #tpu.memory_space<hbm>>)
    %dma_wait3A_96 = arith.constant 3 : i32
    %dma_wait3A_97 = arith.constant 0 : i32
    %dma_wait3A_98 = tpu.memref_slice %arg8[%dma_wait3A_96, %dma_wait3A_97] : memref<4x32xi32, #tpu.memory_space<vmem>> -> memref<1x32xi32, #tpu.memory_space<vmem>>
    %dma_wait3A_99 = tpu.memref_squeeze %dma_wait3A_98 : memref<1x32xi32, #tpu.memory_space<vmem>> -> memref<32xi32, #tpu.memory_space<vmem>>
    %dma_wait3A_100 = arith.constant 0 : i32
    %dma_wait3A_101 = arith.constant 0 : i32
    %dma_wait3A_102 = tpu.memref_slice %arg6[%dma_wait3A_100, %dma_wait3A_101] : memref<4096x1024xf32, #tpu.memory_space<hbm>> -> memref<4096x1024xf32, #tpu.memory_space<hbm>>
    tpu.wait_indirect_dma semaphore(%arg17 : memref<!tpu.dma_semaphore, #tpu.memory_space<semaphore_mem>>) src(%arg9 : memref<32x1024xf32, #tpu.memory_space<vmem>>) dst(%dma_wait3A_102 : memref<4096x1024xf32, #tpu.memory_space<hbm>>)
    return
  }
}

module attributes {stable_mosaic.version = 14 : i64} {
  func.func @_router_body(%arg0: memref<4096x1024xf32, #tpu.memory_space<vmem>>, %arg1: memref<1024x16xf32, #tpu.memory_space<vmem>>, %arg2: memref<1x16xf32, #tpu.memory_space<vmem>>, %arg3: memref<4096xf32, #tpu.memory_space<vmem>>, %arg4: memref<4096xi32, #tpu.memory_space<vmem>>, %arg5: memref<16xi32, #tpu.memory_space<vmem>>) attributes {dimension_semantics = [], scalar_prefetch = 0 : i64, scratch_operands = 0 : i64, tpu.core_type = #tpu.core_type<tc>} {
    %get3A = arith.constant 0 : index
    %get3A_0 = arith.constant 0 : index
    %get3A_1 = vector.load %arg0[%get3A, %get3A_0] : memref<4096x1024xf32, #tpu.memory_space<vmem>>, vector<4096x1024xf32>
    %get3A_2 = arith.constant 0 : index
    %get3A_3 = arith.constant 0 : index
    %get3A_4 = vector.load %arg1[%get3A_2, %get3A_3] : memref<1024x16xf32, #tpu.memory_space<vmem>>, vector<1024x16xf32>
    %dot_general3A = arith.constant dense<0.000000e+00> : vector<4096x16xf32>
    %dot_general3A_5 = tpu.matmul %get3A_1, %get3A_4, %dot_general3A {dimension_numbers = #tpu.dot_dimension_numbers<[1], [0], [0], [1], [0, 0, 1, 1], [], []>, transpose_lhs_hint = false} : vector<4096x1024xf32>, vector<1024x16xf32>, vector<4096x16xf32> -> vector<4096x16xf32>
    %get3A_6 = arith.constant 0 : index
    %get3A_7 = arith.constant 0 : index
    %get3A_8 = vector.load %arg2[%get3A_6, %get3A_7] : memref<1x16xf32, #tpu.memory_space<vmem>>, vector<1x16xf32>
    %add3A = vector.broadcast %get3A_8 : vector<1x16xf32> to vector<4096x16xf32>
    %add3A_9 = arith.addf %dot_general3A_5, %add3A : vector<4096x16xf32>
    %reduce_max3A = arith.constant dense<0xFF800000> : vector<4096xf32>
    %reduce_max3A_10 = vector.multi_reduction <maximumf>, %add3A_9, %reduce_max3A [1] : vector<4096x16xf32> to vector<4096xf32>
    %broadcast_in_dim3A = vector.shape_cast %reduce_max3A_10 : vector<4096xf32> to vector<4096x1xf32>
    %sub3A = vector.broadcast %broadcast_in_dim3A : vector<4096x1xf32> to vector<4096x16xf32>
    %sub3A_11 = arith.subf %add3A_9, %sub3A : vector<4096x16xf32>
    %exp3A = math.exp %sub3A_11 : vector<4096x16xf32>
    %reduce_sum3A = arith.constant dense<0.000000e+00> : vector<4096xf32>
    %reduce_sum3A_12 = vector.multi_reduction <add>, %exp3A, %reduce_sum3A [1] : vector<4096x16xf32> to vector<4096xf32>
    %div3A = arith.constant 1.000000e+00 : f32
    %div3A_13 = vector.broadcast %div3A : f32 to vector<4096xf32>
    %div3A_14 = arith.divf %div3A_13, %reduce_sum3A_12 : vector<4096xf32>
    %swap3A = arith.constant 0 : index
    %swap3A_15 = vector.load %arg3[%swap3A] : memref<4096xf32, #tpu.memory_space<vmem>>, vector<4096xf32>
    tpu.vector_store %arg3[%swap3A], %div3A_14 {strides = array<i32>} : memref<4096xf32, #tpu.memory_space<vmem>>, vector<4096xf32>,
    %argmax3A = tpu.reduce_index %add3A_9 {axis = 1 : i32, kind = #tpu.reduction_kind<arg_max>} : vector<4096x16xf32> -> vector<4096xi32>
    %broadcast_in_dim3A_16 = vector.shape_cast %argmax3A : vector<4096xi32> to vector<4096x1xi32>
    %iota3A = tpu.iota {dimensions = array<i32: 1>} : vector<1x16xi32>
    %eq3A = vector.broadcast %broadcast_in_dim3A_16 : vector<4096x1xi32> to vector<4096x16xi32>
    %eq3A_17 = vector.broadcast %iota3A : vector<1x16xi32> to vector<4096x16xi32>
    %eq3A_18 = arith.cmpi eq, %eq3A, %eq3A_17 : vector<4096x16xi32>
    %convert_element_type3A = arith.extui %eq3A_18 : vector<4096x16xi1> to vector<4096x16xi32>
    %broadcast_in_dim3A_19 = arith.constant 0 : i32
    %broadcast_in_dim3A_20 = vector.broadcast %broadcast_in_dim3A_19 : i32 to vector<1x16xi32>
    %slice3A = vector.extract_strided_slice %convert_element_type3A {offsets = [0, 0], sizes = [4095, 16], strides = [1, 1]} : vector<4096x16xi32> to vector<4095x16xi32>
    %concatenate3A = tpu.concatenate %broadcast_in_dim3A_20, %slice3A in 0 : vector<1x16xi32>, vector<4095x16xi32> -> vector<4096x16xi32>
    %add3A_21 = arith.addi %convert_element_type3A, %concatenate3A : vector<4096x16xi32>
    %broadcast_in_dim3A_22 = arith.constant 0 : i32
    %broadcast_in_dim3A_23 = vector.broadcast %broadcast_in_dim3A_22 : i32 to vector<2x16xi32>
    %slice3A_24 = vector.extract_strided_slice %add3A_21 {offsets = [0, 0], sizes = [4094, 16], strides = [1, 1]} : vector<4096x16xi32> to vector<4094x16xi32>
    %concatenate3A_25 = tpu.concatenate %broadcast_in_dim3A_23, %slice3A_24 in 0 : vector<2x16xi32>, vector<4094x16xi32> -> vector<4096x16xi32>
    %add3A_26 = arith.addi %add3A_21, %concatenate3A_25 : vector<4096x16xi32>
    %broadcast_in_dim3A_27 = arith.constant 0 : i32
    %broadcast_in_dim3A_28 = vector.broadcast %broadcast_in_dim3A_27 : i32 to vector<4x16xi32>
    %slice3A_29 = vector.extract_strided_slice %add3A_26 {offsets = [0, 0], sizes = [4092, 16], strides = [1, 1]} : vector<4096x16xi32> to vector<4092x16xi32>
    %concatenate3A_30 = tpu.concatenate %broadcast_in_dim3A_28, %slice3A_29 in 0 : vector<4x16xi32>, vector<4092x16xi32> -> vector<4096x16xi32>
    %add3A_31 = arith.addi %add3A_26, %concatenate3A_30 : vector<4096x16xi32>
    %broadcast_in_dim3A_32 = arith.constant 0 : i32
    %broadcast_in_dim3A_33 = vector.broadcast %broadcast_in_dim3A_32 : i32 to vector<8x16xi32>
    %slice3A_34 = vector.extract_strided_slice %add3A_31 {offsets = [0, 0], sizes = [4088, 16], strides = [1, 1]} : vector<4096x16xi32> to vector<4088x16xi32>
    %concatenate3A_35 = tpu.concatenate %broadcast_in_dim3A_33, %slice3A_34 in 0 : vector<8x16xi32>, vector<4088x16xi32> -> vector<4096x16xi32>
    %add3A_36 = arith.addi %add3A_31, %concatenate3A_35 : vector<4096x16xi32>
    %broadcast_in_dim3A_37 = arith.constant 0 : i32
    %broadcast_in_dim3A_38 = vector.broadcast %broadcast_in_dim3A_37 : i32 to vector<16x16xi32>
    %slice3A_39 = vector.extract_strided_slice %add3A_36 {offsets = [0, 0], sizes = [4080, 16], strides = [1, 1]} : vector<4096x16xi32> to vector<4080x16xi32>
    %concatenate3A_40 = tpu.concatenate %broadcast_in_dim3A_38, %slice3A_39 in 0 : vector<16x16xi32>, vector<4080x16xi32> -> vector<4096x16xi32>
    %add3A_41 = arith.addi %add3A_36, %concatenate3A_40 : vector<4096x16xi32>
    %broadcast_in_dim3A_42 = arith.constant 0 : i32
    %broadcast_in_dim3A_43 = vector.broadcast %broadcast_in_dim3A_42 : i32 to vector<32x16xi32>
    %slice3A_44 = vector.extract_strided_slice %add3A_41 {offsets = [0, 0], sizes = [4064, 16], strides = [1, 1]} : vector<4096x16xi32> to vector<4064x16xi32>
    %concatenate3A_45 = tpu.concatenate %broadcast_in_dim3A_43, %slice3A_44 in 0 : vector<32x16xi32>, vector<4064x16xi32> -> vector<4096x16xi32>
    %add3A_46 = arith.addi %add3A_41, %concatenate3A_45 : vector<4096x16xi32>
    %broadcast_in_dim3A_47 = arith.constant 0 : i32
    %broadcast_in_dim3A_48 = vector.broadcast %broadcast_in_dim3A_47 : i32 to vector<64x16xi32>
    %slice3A_49 = vector.extract_strided_slice %add3A_46 {offsets = [0, 0], sizes = [4032, 16], strides = [1, 1]} : vector<4096x16xi32> to vector<4032x16xi32>
    %concatenate3A_50 = tpu.concatenate %broadcast_in_dim3A_48, %slice3A_49 in 0 : vector<64x16xi32>, vector<4032x16xi32> -> vector<4096x16xi32>
    %add3A_51 = arith.addi %add3A_46, %concatenate3A_50 : vector<4096x16xi32>
    %broadcast_in_dim3A_52 = arith.constant 0 : i32
    %broadcast_in_dim3A_53 = vector.broadcast %broadcast_in_dim3A_52 : i32 to vector<128x16xi32>
    %slice3A_54 = vector.extract_strided_slice %add3A_51 {offsets = [0, 0], sizes = [3968, 16], strides = [1, 1]} : vector<4096x16xi32> to vector<3968x16xi32>
    %concatenate3A_55 = tpu.concatenate %broadcast_in_dim3A_53, %slice3A_54 in 0 : vector<128x16xi32>, vector<3968x16xi32> -> vector<4096x16xi32>
    %add3A_56 = arith.addi %add3A_51, %concatenate3A_55 : vector<4096x16xi32>
    %broadcast_in_dim3A_57 = arith.constant 0 : i32
    %broadcast_in_dim3A_58 = vector.broadcast %broadcast_in_dim3A_57 : i32 to vector<256x16xi32>
    %slice3A_59 = vector.extract_strided_slice %add3A_56 {offsets = [0, 0], sizes = [3840, 16], strides = [1, 1]} : vector<4096x16xi32> to vector<3840x16xi32>
    %concatenate3A_60 = tpu.concatenate %broadcast_in_dim3A_58, %slice3A_59 in 0 : vector<256x16xi32>, vector<3840x16xi32> -> vector<4096x16xi32>
    %add3A_61 = arith.addi %add3A_56, %concatenate3A_60 : vector<4096x16xi32>
    %broadcast_in_dim3A_62 = arith.constant 0 : i32
    %broadcast_in_dim3A_63 = vector.broadcast %broadcast_in_dim3A_62 : i32 to vector<512x16xi32>
    %slice3A_64 = vector.extract_strided_slice %add3A_61 {offsets = [0, 0], sizes = [3584, 16], strides = [1, 1]} : vector<4096x16xi32> to vector<3584x16xi32>
    %concatenate3A_65 = tpu.concatenate %broadcast_in_dim3A_63, %slice3A_64 in 0 : vector<512x16xi32>, vector<3584x16xi32> -> vector<4096x16xi32>
    %add3A_66 = arith.addi %add3A_61, %concatenate3A_65 : vector<4096x16xi32>
    %broadcast_in_dim3A_67 = arith.constant 0 : i32
    %broadcast_in_dim3A_68 = vector.broadcast %broadcast_in_dim3A_67 : i32 to vector<1024x16xi32>
    %slice3A_69 = vector.extract_strided_slice %add3A_66 {offsets = [0, 0], sizes = [3072, 16], strides = [1, 1]} : vector<4096x16xi32> to vector<3072x16xi32>
    %concatenate3A_70 = tpu.concatenate %broadcast_in_dim3A_68, %slice3A_69 in 0 : vector<1024x16xi32>, vector<3072x16xi32> -> vector<4096x16xi32>
    %add3A_71 = arith.addi %add3A_66, %concatenate3A_70 : vector<4096x16xi32>
    %broadcast_in_dim3A_72 = arith.constant 0 : i32
    %broadcast_in_dim3A_73 = vector.broadcast %broadcast_in_dim3A_72 : i32 to vector<2048x16xi32>
    %slice3A_74 = vector.extract_strided_slice %add3A_71 {offsets = [0, 0], sizes = [2048, 16], strides = [1, 1]} : vector<4096x16xi32> to vector<2048x16xi32>
    %concatenate3A_75 = tpu.concatenate %broadcast_in_dim3A_73, %slice3A_74 in 0 : vector<2048x16xi32>, vector<2048x16xi32> -> vector<4096x16xi32>
    %add3A_76 = arith.addi %add3A_71, %concatenate3A_75 : vector<4096x16xi32>
    %slice3A_77 = vector.extract_strided_slice %add3A_76 {offsets = [4095, 0], sizes = [1, 16], strides = [1, 1]} : vector<4096x16xi32> to vector<1x16xi32>
    %broadcast_in_dim3A_78 = arith.constant 0 : i32
    %broadcast_in_dim3A_79 = vector.broadcast %broadcast_in_dim3A_78 : i32 to vector<1x1xi32>
    %slice3A_80 = vector.extract_strided_slice %slice3A_77 {offsets = [0, 0], sizes = [1, 15], strides = [1, 1]} : vector<1x16xi32> to vector<1x15xi32>
    %concatenate3A_81 = tpu.concatenate %broadcast_in_dim3A_79, %slice3A_80 in 1 : vector<1x1xi32>, vector<1x15xi32> -> vector<1x16xi32>
    %add3A_82 = arith.addi %slice3A_77, %concatenate3A_81 : vector<1x16xi32>
    %broadcast_in_dim3A_83 = arith.constant 0 : i32
    %broadcast_in_dim3A_84 = vector.broadcast %broadcast_in_dim3A_83 : i32 to vector<1x2xi32>
    %slice3A_85 = vector.extract_strided_slice %add3A_82 {offsets = [0, 0], sizes = [1, 14], strides = [1, 1]} : vector<1x16xi32> to vector<1x14xi32>
    %concatenate3A_86 = tpu.concatenate %broadcast_in_dim3A_84, %slice3A_85 in 1 : vector<1x2xi32>, vector<1x14xi32> -> vector<1x16xi32>
    %add3A_87 = arith.addi %add3A_82, %concatenate3A_86 : vector<1x16xi32>
    %broadcast_in_dim3A_88 = arith.constant 0 : i32
    %broadcast_in_dim3A_89 = vector.broadcast %broadcast_in_dim3A_88 : i32 to vector<1x4xi32>
    %slice3A_90 = vector.extract_strided_slice %add3A_87 {offsets = [0, 0], sizes = [1, 12], strides = [1, 1]} : vector<1x16xi32> to vector<1x12xi32>
    %concatenate3A_91 = tpu.concatenate %broadcast_in_dim3A_89, %slice3A_90 in 1 : vector<1x4xi32>, vector<1x12xi32> -> vector<1x16xi32>
    %add3A_92 = arith.addi %add3A_87, %concatenate3A_91 : vector<1x16xi32>
    %broadcast_in_dim3A_93 = arith.constant 0 : i32
    %broadcast_in_dim3A_94 = vector.broadcast %broadcast_in_dim3A_93 : i32 to vector<1x8xi32>
    %slice3A_95 = vector.extract_strided_slice %add3A_92 {offsets = [0, 0], sizes = [1, 8], strides = [1, 1]} : vector<1x16xi32> to vector<1x8xi32>
    %concatenate3A_96 = tpu.concatenate %broadcast_in_dim3A_94, %slice3A_95 in 1 : vector<1x8xi32>, vector<1x8xi32> -> vector<1x16xi32>
    %add3A_97 = arith.addi %add3A_92, %concatenate3A_96 : vector<1x16xi32>
    %sub3A_98 = arith.subi %add3A_97, %slice3A_77 : vector<1x16xi32>
    %mul3A = arith.muli %convert_element_type3A, %add3A_76 : vector<4096x16xi32>
    %reduce_sum3A_99 = arith.constant dense<0> : vector<4096xi32>
    %reduce_sum3A_100 = vector.multi_reduction <add>, %mul3A, %reduce_sum3A_99 [1] : vector<4096x16xi32> to vector<4096xi32>
    %sub3A_101 = arith.constant 1 : i32
    %sub3A_102 = vector.broadcast %sub3A_101 : i32 to vector<4096xi32>
    %sub3A_103 = arith.subi %reduce_sum3A_100, %sub3A_102 : vector<4096xi32>
    %mul3A_104 = vector.broadcast %sub3A_98 : vector<1x16xi32> to vector<4096x16xi32>
    %mul3A_105 = arith.muli %convert_element_type3A, %mul3A_104 : vector<4096x16xi32>
    %reduce_sum3A_106 = arith.constant dense<0> : vector<4096xi32>
    %reduce_sum3A_107 = vector.multi_reduction <add>, %mul3A_105, %reduce_sum3A_106 [1] : vector<4096x16xi32> to vector<4096xi32>
    %add3A_108 = arith.addi %reduce_sum3A_107, %sub3A_103 : vector<4096xi32>
    %swap3A_109 = arith.constant 0 : index
    %swap3A_110 = vector.load %arg4[%swap3A_109] : memref<4096xi32, #tpu.memory_space<vmem>>, vector<4096xi32>
    tpu.vector_store %arg4[%swap3A_109], %add3A_108 {strides = array<i32>} : memref<4096xi32, #tpu.memory_space<vmem>>, vector<4096xi32>,
    %squeeze3A = vector.shape_cast %slice3A_77 : vector<1x16xi32> to vector<16xi32>
    %swap3A_111 = arith.constant 0 : index
    %swap3A_112 = vector.load %arg5[%swap3A_111] : memref<16xi32, #tpu.memory_space<vmem>>, vector<16xi32>
    tpu.vector_store %arg5[%swap3A_111], %squeeze3A {strides = array<i32>} : memref<16xi32, #tpu.memory_space<vmem>>, vector<16xi32>,
    return
  }
}

module attributes {stable_mosaic.version = 14 : i64} {
  func.func @_moe_body(%arg0: i32, %arg1: memref<23xi32, #tpu.memory_space<smem>>, %arg2: memref<23xi32, #tpu.memory_space<smem>>, %arg3: memref<23xi32, #tpu.memory_space<smem>>, %arg4: memref<23xi32, #tpu.memory_space<smem>>, %arg5: memref<512x1024xf32, #tpu.memory_space<vmem>>, %arg6: memref<1x1024x1024xf32, #tpu.memory_space<vmem>>, %arg7: memref<1x1x1024xf32, #tpu.memory_space<vmem>>, %arg8: memref<1x1x512xf32, #tpu.memory_space<vmem>>, %arg9: memref<512x1024xf32, #tpu.memory_space<vmem>>) attributes {dimension_semantics = [#tpu.dimension_semantics<arbitrary>], iteration_bounds = array<i64: 23>, scalar_prefetch = 4 : i64, scratch_operands = 0 : i64, tpu.core_type = #tpu.core_type<tc>, window_params = [{transform_indices = @transform_0, window_bounds = array<i64: 512, 1024>}, {transform_indices = @transform_1, window_bounds = array<i64: 1, 1024, 1024>}, {transform_indices = @transform_2, window_bounds = array<i64: 1, 1, 1024>}, {transform_indices = @transform_3, window_bounds = array<i64: 1, 1, 512>}, {transform_indices = @transform_4, window_bounds = array<i64: 512, 1024>}]} {
    %get3A = arith.index_cast %arg0 : i32 to index
    %get3A_0 = memref.load %arg1[%get3A] : memref<23xi32, #tpu.memory_space<smem>>
    %get3A_1 = arith.index_cast %arg0 : i32 to index
    %get3A_2 = memref.load %arg3[%get3A_1] : memref<23xi32, #tpu.memory_space<smem>>
    %get3A_3 = arith.index_cast %arg0 : i32 to index
    %get3A_4 = memref.load %arg4[%get3A_3] : memref<23xi32, #tpu.memory_space<smem>>
    %get3A_5 = arith.constant 0 : index
    %get3A_6 = arith.constant 0 : index
    %get3A_7 = vector.load %arg5[%get3A_5, %get3A_6] : memref<512x1024xf32, #tpu.memory_space<vmem>>, vector<512x1024xf32>
    %get3A_8 = arith.constant 0 : index
    %get3A_9 = arith.constant 0 : index
    %get3A_10 = arith.constant 0 : index
    %get3A_11 = vector.load %arg6[%get3A_8, %get3A_9, %get3A_10] : memref<1x1024x1024xf32, #tpu.memory_space<vmem>>, vector<1x1024x1024xf32>
    %get3A_12 = vector.shape_cast %get3A_11 : vector<1x1024x1024xf32> to vector<1024x1024xf32>
    %dot_general3A = arith.constant dense<0.000000e+00> : vector<512x1024xf32>
    %dot_general3A_13 = tpu.matmul %get3A_7, %get3A_12, %dot_general3A {dimension_numbers = #tpu.dot_dimension_numbers<[1], [0], [0], [1], [0, 0, 1, 1], [], []>, transpose_lhs_hint = false} : vector<512x1024xf32>, vector<1024x1024xf32>, vector<512x1024xf32> -> vector<512x1024xf32>
    %get3A_14 = arith.constant 0 : index
    %get3A_15 = arith.constant 0 : index
    %get3A_16 = arith.constant 0 : index
    %get3A_17 = vector.load %arg7[%get3A_14, %get3A_15, %get3A_16] : memref<1x1x1024xf32, #tpu.memory_space<vmem>>, vector<1x1x1024xf32>
    %get3A_18 = vector.shape_cast %get3A_17 : vector<1x1x1024xf32> to vector<1x1024xf32>
    %add3A = vector.broadcast %get3A_18 : vector<1x1024xf32> to vector<512x1024xf32>
    %add3A_19 = arith.addf %dot_general3A_13, %add3A : vector<512x1024xf32>
    %get3A_20 = arith.constant 0 : index
    %get3A_21 = arith.constant 0 : index
    %get3A_22 = arith.constant 0 : index
    %get3A_23 = vector.load %arg8[%get3A_20, %get3A_21, %get3A_22] : memref<1x1x512xf32, #tpu.memory_space<vmem>>, vector<1x1x512xf32>
    %get3A_24 = vector.shape_cast %get3A_23 : vector<1x1x512xf32> to vector<1x512xf32>
    %squeeze3A = vector.shape_cast %get3A_24 : vector<1x512xf32> to vector<512xf32>
    %broadcast_in_dim3A = vector.shape_cast %squeeze3A : vector<512xf32> to vector<512x1xf32>
    %mul3A = vector.broadcast %broadcast_in_dim3A : vector<512x1xf32> to vector<512x1024xf32>
    %mul3A_25 = arith.mulf %add3A_19, %mul3A : vector<512x1024xf32>
    %mul3A_26 = arith.constant 512 : i32
    %mul3A_27 = arith.muli %get3A_0, %mul3A_26 : i32
    %iota3A = tpu.iota {dimensions = array<i32: 0>} : vector<512x1xi32>
    %add3A_28 = vector.broadcast %mul3A_27 : i32 to vector<512x1xi32>
    %add3A_29 = arith.addi %add3A_28, %iota3A : vector<512x1xi32>
    %ge3A = vector.broadcast %get3A_2 : i32 to vector<512x1xi32>
    %ge3A_30 = arith.cmpi sge, %add3A_29, %ge3A : vector<512x1xi32>
    %lt3A = vector.broadcast %get3A_4 : i32 to vector<512x1xi32>
    %lt3A_31 = arith.cmpi slt, %add3A_29, %lt3A : vector<512x1xi32>
    %and3A = arith.andi %ge3A_30, %lt3A_31 : vector<512x1xi1>
    %jit3A = arith.constant 0.000000e+00 : f32
    %broadcast_in_dim3A_32 = vector.shape_cast %and3A : vector<512x1xi1> to vector<512x1xi1>
    %broadcast_in_dim3A_33 = vector.broadcast %broadcast_in_dim3A_32 : vector<512x1xi1> to vector<512x1024xi1>
    %broadcast_in_dim3A_34 = vector.broadcast %jit3A : f32 to vector<512x1024xf32>
    %select_n3A = arith.select %broadcast_in_dim3A_33, %mul3A_25, %broadcast_in_dim3A_34 : vector<512x1024xi1>, vector<512x1024xf32>
    %eq3A = arith.constant 0 : i32
    %eq3A_35 = arith.cmpi eq, %arg0, %eq3A : i32
    %sub3A = arith.constant 1 : i32
    %sub3A_36 = arith.subi %arg0, %sub3A : i32
    %max3A = arith.constant 0 : i32
    %max3A_37 = arith.maxsi %sub3A_36, %max3A : i32
    %get3A_38 = arith.index_cast %max3A_37 : i32 to index
    %get3A_39 = memref.load %arg1[%get3A_38] : memref<23xi32, #tpu.memory_space<smem>>
    %ne3A = arith.cmpi ne, %get3A_0, %get3A_39 : i32
    %or3A = arith.ori %eq3A_35, %ne3A : i1
    %convert_element_type3A = arith.extui %or3A : i1 to i32
    %cond3A = arith.constant 0 : i32
    %cond3A_40 = arith.cmpi ne, %convert_element_type3A, %cond3A : i32
    scf.if %cond3A_40 {
      %swap3A = arith.constant 0 : index
      %swap3A_45 = arith.constant 0 : index
      %swap3A_46 = vector.load %arg9[%swap3A, %swap3A_45] : memref<512x1024xf32, #tpu.memory_space<vmem>>, vector<512x1024xf32>
      tpu.vector_store %arg9[%swap3A, %swap3A_45], %select_n3A {strides = array<i32>} : memref<512x1024xf32, #tpu.memory_space<vmem>>, vector<512x1024xf32>,
    } else {
    }
    %not3A = arith.constant true
    %not3A_41 = arith.xori %or3A, %not3A : i1
    %convert_element_type3A_42 = arith.extui %not3A_41 : i1 to i32
    %cond3A_43 = arith.constant 0 : i32
    %cond3A_44 = arith.cmpi ne, %convert_element_type3A_42, %cond3A_43 : i32
    scf.if %cond3A_44 {
      %get3A_45 = arith.constant 0 : index
      %get3A_46 = arith.constant 0 : index
      %get3A_47 = vector.load %arg9[%get3A_45, %get3A_46] : memref<512x1024xf32, #tpu.memory_space<vmem>>, vector<512x1024xf32>
      %add3A_48 = arith.addf %get3A_47, %select_n3A : vector<512x1024xf32>
      %swap3A = arith.constant 0 : index
      %swap3A_49 = arith.constant 0 : index
      %swap3A_50 = vector.load %arg9[%swap3A, %swap3A_49] : memref<512x1024xf32, #tpu.memory_space<vmem>>, vector<512x1024xf32>
      tpu.vector_store %arg9[%swap3A, %swap3A_49], %add3A_48 {strides = array<i32>} : memref<512x1024xf32, #tpu.memory_space<vmem>>, vector<512x1024xf32>,
    } else {
    }
    return
  }
  func.func @transform_0(%arg0: i32, %arg1: memref<23xi32, #tpu.memory_space<smem>>, %arg2: memref<23xi32, #tpu.memory_space<smem>>, %arg3: memref<23xi32, #tpu.memory_space<smem>>, %arg4: memref<23xi32, #tpu.memory_space<smem>>) -> (i32, i32) {
    %get3A = arith.index_cast %arg0 : i32 to index
    %get3A_0 = memref.load %arg1[%get3A] : memref<23xi32, #tpu.memory_space<smem>>
    %c0_i32 = arith.constant 0 : i32
    %c0_i32_1 = arith.constant 0 : i32
    return %get3A_0, %c0_i32 : i32, i32
  }
  func.func @transform_1(%arg0: i32, %arg1: memref<23xi32, #tpu.memory_space<smem>>, %arg2: memref<23xi32, #tpu.memory_space<smem>>, %arg3: memref<23xi32, #tpu.memory_space<smem>>, %arg4: memref<23xi32, #tpu.memory_space<smem>>) -> (i32, i32, i32) {
    %get3A = arith.index_cast %arg0 : i32 to index
    %get3A_0 = memref.load %arg2[%get3A] : memref<23xi32, #tpu.memory_space<smem>>
    %c0_i32 = arith.constant 0 : i32
    %c0_i32_1 = arith.constant 0 : i32
    %c0_i32_2 = arith.constant 0 : i32
    return %get3A_0, %c0_i32, %c0_i32_1 : i32, i32, i32
  }
  func.func @transform_2(%arg0: i32, %arg1: memref<23xi32, #tpu.memory_space<smem>>, %arg2: memref<23xi32, #tpu.memory_space<smem>>, %arg3: memref<23xi32, #tpu.memory_space<smem>>, %arg4: memref<23xi32, #tpu.memory_space<smem>>) -> (i32, i32, i32) {
    %get3A = arith.index_cast %arg0 : i32 to index
    %get3A_0 = memref.load %arg2[%get3A] : memref<23xi32, #tpu.memory_space<smem>>
    %c0_i32 = arith.constant 0 : i32
    %c0_i32_1 = arith.constant 0 : i32
    %c0_i32_2 = arith.constant 0 : i32
    return %get3A_0, %c0_i32, %c0_i32_1 : i32, i32, i32
  }
  func.func @transform_3(%arg0: i32, %arg1: memref<23xi32, #tpu.memory_space<smem>>, %arg2: memref<23xi32, #tpu.memory_space<smem>>, %arg3: memref<23xi32, #tpu.memory_space<smem>>, %arg4: memref<23xi32, #tpu.memory_space<smem>>) -> (i32, i32, i32) {
    %get3A = arith.index_cast %arg0 : i32 to index
    %get3A_0 = memref.load %arg1[%get3A] : memref<23xi32, #tpu.memory_space<smem>>
    %c0_i32 = arith.constant 0 : i32
    %c0_i32_1 = arith.constant 0 : i32
    %c0_i32_2 = arith.constant 0 : i32
    return %get3A_0, %c0_i32, %c0_i32_1 : i32, i32, i32
  }
  func.func @transform_4(%arg0: i32, %arg1: memref<23xi32, #tpu.memory_space<smem>>, %arg2: memref<23xi32, #tpu.memory_space<smem>>, %arg3: memref<23xi32, #tpu.memory_space<smem>>, %arg4: memref<23xi32, #tpu.memory_space<smem>>) -> (i32, i32) {
    %get3A = arith.index_cast %arg0 : i32 to index
    %get3A_0 = memref.load %arg1[%get3A] : memref<23xi32, #tpu.memory_space<smem>>
    %c0_i32 = arith.constant 0 : i32
    %c0_i32_1 = arith.constant 0 : i32
    return %get3A_0, %c0_i32 : i32, i32
  }
}

</mosaic_0001>

<sc_bundles>
// kernel: kernel.6.cloned.1.call-start
scs
__scs_entry_jumppad:
0x0: {  	(pc) =	sbr.rel $0x88, $3  }
0x1: {  	(tag) =	ssettag $0x0;
	lr =	simm.s32 $0x1  }
0x2: {  	[smem:$0x3F9C] =	sst lr;
	_ =	strace $0xD0000000  }
0x3: {  	_ = 	snop  }
0x4: {  	_ = 	snop  }
0x5: {  	_ = 	snop  }
0x6: {  	_ = 	snop  }
0x7: {  	_ = 	snop  }
__scs_overlays_trampoline_lowered:
0x8: {  	[smem:$0x3FAB] =	sst s0  }
0x9: {  	[smem:$0x3FAC] =	sst s1  }
0xa: {  	[smem:$0x3FAD] =	sst s2  }
0xb: {  	[smem:$0x3FAE] =	sst s3  }
0xc: {  	[smem:$0x3FAF] =	sst s4  }
0xd: {  	[smem:$0x3FB0] =	sst s5  }
0xe: {  	[smem:$0x3FB1] =	sst s6  }
0xf: {  	[smem:$0x3FB2] =	sst s7  }
0x10: {  	[smem:$0x3FB3] =	sst s8  }
0x11: {  	[smem:$0x3FB4] =	sst s9;
	s0 =	simm.s32 @!p0 $0x0  }
0x12: {  	s1 =	sld [smem:$0x3F9A];
	s0 =	simm.s32 @p0 $0x1  }
0x13: {  	[smem:$0x3FB5] =	sst s0;
	s0 =	simm.s32 @!p1 $0x0  }
0x14: {  	s2 =	sld [smem:$0x3F99];
	s0 =	simm.s32 @p1 $0x1  }
0x15: {  	[smem:$0x3FB6] =	sst s0;
	s0 =	simm.s32 @!p2 $0x0  }
0x16: {  	s3 =	sld [smem:$0x3FDB];
	s0 =	simm.s32 @p2 $0x1  }
0x17: {  	s4 =	simm.s32 $0x1BF5;
	[smem:$0x3FB8] =	sst s0  }
0x18: {  	s0 =	sld [smem:$0x3F9B];
	_ =	swait.ge [sflag:s4], $0x0  }
0x19: {  	s7 =	sld [smem:$0x3F9C]  }
0x1a: {  	s8 =	sadd.s32 $0xFFFFE003, lr  }
0x1b: {  	s9 =	sadd.s32 $0xFFFFFEF7, lr;
	s5 =	simm.s32 $0xFFFFFFFF;
	p2 =	slt.u32 s8, $0xFFFFF086  }
0x1c: {  	p1 =	slt.u32 s9, $0xF7A;
	s5 =	simm.s32 @!p2 $0x0  }
0x1d: {  	s5 =	simm.s32 @p1 $0x1;
	p0 =	seq.s32 s7, s2  }
0x1e: {  	s7 =	smul.u32 @!p0 $0xF7A, s2;
	p2 =	seq.s32 @!p0 s5, $0x0  }
0x1f: {  	s9 =	smul.u32 $0xF7A, s1;
	s8 =	simm.s32 @!p0 $0x1BF5;
	p2 =	por !p2, p0  }
0x20: {  	[sflag:s8] =	ssyncset.s32 @!p0 $0xFFFFF086;
	s6 =	sadd.s32 @!p0 s3, s7;
	s7 =	simm.s32 @!p0 $0x108  }
0x21: {  	s3 =	sadd.s32 s3, s9;
	s6 =	sadd.s32 @!p0 $0x88, s6;
	s7 =	simm.s32 @p2 $0x1082  }
0x22: {  	[simem:s7], [sflag:s8] =	dma.local @!p0 [hbm:s6], $0xF7A  }
0x23: {  	s9 =	sor.u32 $0xD0000000, s2;
	s6 =	simm.s32 $0x108;
	_ =	swait.ge @!p0 [sflag:s8], $0x0  }
0x24: {  	s3 =	sadd.s32 $0x88, s3;
	s6 =	simm.s32 @!p1 $0x1082;
	[sflag:s4] =	ssyncset.s32 $0xFFFFF086  }
0x25: {  	[simem:s6], [sflag:s4] =	dma.local [hbm:s3], $0xF7A  }
0x26: {  	[smem:$0x3F9C] =	sst s1;
	(tag) =	ssettag s2;
	_ =	strace s9  }
0x27: {  	s1 =	sld [smem:$0x3FAC]  }
0x28: {  	s2 =	sld [smem:$0x3FAD]  }
0x29: {  	s4 =	sld [smem:$0x3FAF]  }
0x2a: {  	p0 =	seq.s32 s5, $0x0;
	s5 =	sld [smem:$0x3FB0]  }
0x2b: {  	s6 =	sld [smem:$0x3FB1]  }
0x2c: {  	s7 =	sld [smem:$0x3FB2]  }
0x2d: {  	s3 =	simm.s32 $0x108;
	s8 =	sld [smem:$0x3FB3]  }
0x2e: {  	s3 =	simm.s32 @!p0 $0x1082;
	s9 =	sld [smem:$0x3FB4]  }
0x2f: {  	lr =	sadd.s32 s0, s3;
	s0 =	sld [smem:$0x3FAB]  }
0x30: {  	s3 =	sld [smem:$0x3FAE]  }
0x31: {  	[smem:$0x3FB7] =	sst s10  }
0x32: {  	s10 =	sld [smem:$0x3FB5];
	_ =	sdelay $0x3  }
0x33: {  	p0 =	seq.s32 s10, $0x1;
	s10 =	sld [smem:$0x3FB7];
	_ =	sdelay $0x3  }
0x34: {  	[smem:$0x3FB7] =	sst s10  }
0x35: {  	s10 =	sld [smem:$0x3FB6];
	_ =	sdelay $0x3  }
0x36: {  	p1 =	seq.s32 s10, $0x1;
	s10 =	sld [smem:$0x3FB7];
	_ =	sdelay $0x3  }
0x37: {  	[smem:$0x3FB7] =	sst s10  }
0x38: {  	s10 =	sld [smem:$0x3FB8]  }
0x39: {  	_ = 	snop;
	(pc) =	sbr.ind lr, $3  }
0x3a: {  	_ = 	snop  }
0x3b: {  	_ = 	snop  }
0x3c: {  	p2 =	seq.s32 s10, $0x1;
	s10 =	sld [smem:$0x3FB7]  }
0x3d: {  	_ =	shalt  }
0x3e: {  	_ =	shalt  }
0x3f: {  	_ =	shalt  }
0x40: {  	_ =	shalt  }
0x41: {  	_ =	shalt  }
0x42: {  	_ =	shalt  }
0x43: {  	_ =	shalt  }
0x44: {  	_ =	shalt  }
0x45: {  	_ =	shalt  }
0x46: {  	_ =	shalt  }
0x47: {  	_ =	shalt  }
0x48: {  	_ =	shalt  }
0x49: {  	_ =	shalt  }
0x4a: {  	_ =	shalt  }
0x4b: {  	_ =	shalt  }
0x4c: {  	_ =	shalt  }
0x4d: {  	_ =	shalt  }
0x4e: {  	_ =	shalt  }
0x4f: {  	_ =	shalt  }
0x50: {  	_ =	shalt  }
0x51: {  	_ =	shalt  }
0x52: {  	_ =	shalt  }
0x53: {  	_ =	shalt  }
0x54: {  	_ =	shalt  }
0x55: {  	_ =	shalt  }
0x56: {  	_ =	shalt  }
0x57: {  	_ =	shalt  }
0x58: {  	_ =	shalt  }
0x59: {  	_ =	shalt  }
0x5a: {  	_ =	shalt  }
0x5b: {  	_ =	shalt  }
0x5c: {  	_ =	shalt  }
0x5d: {  	_ =	shalt  }
0x5e: {  	_ =	shalt  }
0x5f: {  	_ =	shalt  }
0x60: {  	_ =	shalt  }
0x61: {  	_ =	shalt  }
0x62: {  	_ =	shalt  }
0x63: {  	_ =	shalt  }
0x64: {  	_ =	shalt  }
0x65: {  	_ =	shalt  }
0x66: {  	_ =	shalt  }
0x67: {  	_ =	shalt  }
0x68: {  	_ =	shalt  }
0x69: {  	_ =	shalt  }
0x6a: {  	_ =	shalt  }
0x6b: {  	_ =	shalt  }
0x6c: {  	_ =	shalt  }
0x6d: {  	_ =	shalt  }
0x6e: {  	_ =	shalt  }
0x6f: {  	_ =	shalt  }
0x70: {  	_ =	shalt  }
0x71: {  	_ =	shalt  }
0x72: {  	_ =	shalt  }
0x73: {  	_ =	shalt  }
0x74: {  	_ =	shalt  }
0x75: {  	_ =	shalt  }
0x76: {  	_ =	shalt  }
0x77: {  	_ =	shalt  }
0x78: {  	_ =	shalt  }
0x79: {  	_ =	shalt  }
0x7a: {  	_ =	shalt  }
0x7b: {  	_ =	shalt  }
0x7c: {  	_ =	shalt  }
0x7d: {  	_ =	shalt  }
0x7e: {  	_ =	shalt  }
0x7f: {  	_ =	shalt  }
0x80: {  	_ =	shalt  }
0x81: {  	_ =	shalt  }
0x82: {  	_ =	shalt  }
0x83: {  	_ =	shalt  }
0x84: {  	_ =	shalt  }
0x85: {  	_ =	shalt  }
0x86: {  	_ =	shalt  }
0x87: {  	_ =	shalt  }
.Lfunc_end0:
.L_simem_size_0:
called_computation_lowered:
.L_overlay_start_0:
0x88: {  	s2 =	sld [smem:$0x3FD9]  }
0x89: {  	s3 =	sld [smem:$0x3FFE];
	_ =	sdelay $0x1  }
0x8a: {  	s1 =	srdreg.scid  }
0x8b: {  	s0 =	sand.u32 $0x1, s1  }
0x8c: {  	s17 =	sshll.u32 s0, $0xA;
	s2 =	sadd.s32 s3, s2  }
0x8d: {  	s2 =	sadd.s32 s2, s17  }
0x8e: {  	[smem:$0x3FC3] =	sst s2  }
0x8f: {  	_ = 	snop  }
0x90: {  	s2 =	sld [smem:$0x3FC9]  }
0x91: {  	s18 =	sld [smem:$0x3FD0];
	(tm) =	ssettm $0x1  }
0x92: {  	s4 =	sld [smem:$0x3FFB];
	_ =	sdelay $0x3  }
0x93: {  	_ =	strace s4  }
0x94: {  	s4 =	sld [smem:$0x3FFC];
	_ =	sdelay $0x3  }
0x95: {  	_ =	strace s4  }
0x96: {  	s4 =	sld [smem:$0x3FFD];
	_ =	sdelay $0x3  }
0x97: {  	_ =	strace s4  }
0x98: {  	_ =	strace $0x8FFFFFFF  }
0x99: {  	s19 =	sld [smem:$0x3FDB];
	_ =	sdelay $0x1  }
0x9a: {  	s5 =	simm.s32 $_scs_section_size  }
0x9b: {  	s6 =	simm.s32 $_size__tile_overlayer_lowered;
	s7 =	simm.s32 $_tile_overlayer_lowered  }
0x9c: {  	s22 =	simm.s32 $0x1BFF;
	s21 =	sshll.u32 s7, $0x1;
	s4 =	sadd.s32 s5, s19  }
0x9d: {  	s8 =	simm.s32 $0x0;
	s20 =	sshll.u32 s6, $0x1;
	s6 =	sadd.s32 s21, s4  }
0x9e: {  	[timem:s8], [sflag:s22] =	dma.local [hbm:s6], s20  }
0x9f: {  	_ =	swait.ge [sflag:s22], s20  }
0xa0: {  	s5 =	ssub.s32 $0x0, s20;
	[sflag:s22] =	ssyncset.done $0x0  }
0xa1: {  	[sflag:s22] =	ssyncadd.s32 s5;
	_ =	sdelay $0x1  }
0xa2: {  	s23 =	simm.s32 $0x1B8B  }
0xa3: {  	_ =	swait.ge [sflag:s23], $0x1  }
0xa4: {  	[sflag:s23] =	ssyncset.done $0x0  }
0xa5: {  	s25 =	simm.s32 $0x1B8E;
	s24 =	sld [smem:$0x3FFE];
	[sflag:s23] =	ssyncadd.s32 $0xFFFFFFFF  }
0xa6: {  	s26 =	simm.s32 $execute0_lowered;
	[smem:$0x3FD2] =	sst s25  }
0xa7: {  	s6 =	sshll.u32 s26, $0x1;
	_ =	strace $0x80000046;
	[dreg:$0x1] =	wrdreg $0xFFFFFFFF  }
0xa8: {  	s28 =	simm.s32 $_size_execute0_lowered;
	s4 =	sadd.s32 s4, s6;
	[dreg:$0x0] =	wrdreg $0x0  }
0xa9: {  	s6 =	sshll.u32 s28, $0x1;
	[dreg:$0x2] =	wrdreg s4  }
0xaa: {  	[dreg:$0x3] =	wrdreg s6  }
0xab: {  	[dreg:$0x4] =	wrdreg $0xC0  }
0xac: {  	_ =	task [dreg:s8], $0x5FFFF  }
0xad: {  	[dreg:$0x1] =	wrdreg $0xFFFFFFFF  }
0xae: {  	[dreg:$0x0] =	wrdreg $0x60  }
0xaf: {  	[dreg:$0x2] =	wrdreg s2  }
0xb0: {  	[dreg:$0x3] =	wrdreg s24  }
0xb1: {  	[dreg:$0x4] =	wrdreg s18  }
0xb2: {  	[dreg:$0x5] =	wrdreg $0x9  }
0xb3: {  	_ =	task.clear_ibuf [dreg:s8], $0x6FFFF;
	_ =	strace $0x90000046  }
0xb4: {  	s29 =	simm.s32 $0x9;
	_ =	strace $0x80000048  }
0xb5: {  	_ =	swait.ge [sflag:s29], $0x1  }
0xb6: {  	[sflag:s29] =	ssyncadd.s32 $0xFFFFFFFF  }
0xb7: {  	_ =	strace $0x90000048  }
0xb8: {  	_ =	sfence  }
0xb9: {  	s30 =	sld [smem:$0x0];
	_ =	sdelay $0x2  }
0xba: {  	s31 =	sshll.u32 s1, $0xD;
	s1 =	sshrl.u32 s1, $0x2  }
0xbb: {  	s3 =	sand.u32 $0x4000, s31;
	s1 =	sadd.s32 s1, s30  }
0xbc: {  	s0 =	sor.u32 s3, s0;
	s1 =	sshll.u32 s1, $0x11  }
0xbd: {  	s0 =	sor.u32 s1, s0  }
0xbe: {  	s0 =	sadd.s32 $0x8F2B, s0  }
0xbf: {  	[sflag:s0] =	ssyncadd.remote.s32 $0x1  }
0xc0: {  	_ =	sfence.sel $0xFFFF  }
0xc1: {  	[dreg:$0x0] =	wrdreg $0xFFFFFFFF;
	(pc) =	sbr.abs _section_cstart, $3  }
0xc2: {  	[dreg:$0x1] =	wrdreg $0xFFFFFFFF  }
0xc3: {  	_ =	task.clear_ibuf [dreg:s8], $0x2FFFF;
	_ =	strace $0x9FFFFFFF  }
0xc4: {  	(tm) =	ssettm $0x7FFFFFFF  }
0xc5: {  	_ =	shalt  }
tec
execute0_lowered:
.L_overlay_start_1:
0x0: {  	(tag) =	ssettag $0x1  }
0x1: {  	s0 =	rddreg [dreg:$0x0]  }
0x2: {  	s2 =	rddreg [dreg:$0x1]  }
0x3: {  	s1 =	rddreg [dreg:$0x2];
	s3 =	simm.s32 $0x0  }
0x4: {  	[smem:$0x7FF] =	sst s3;
	s9 =	sadd.s32 $0x2000, s2  }
0x5: {  	s18 =	simm.s32 $0x80;
	_ =	strace $0x80000047;
	[dreg:$0x4] =	wrdreg s9  }
0x6: {  	s19 =	simm.s32 $0x8A00;
	[dreg:$0xb] =	wrdreg s18  }
0x7: {  	s20 =	simm.s32 $0x9200;
	[dreg:$0xc] =	wrdreg s19  }
0x8: {  	s21 =	simm.s32 $0x9A00;
	[dreg:$0xd] =	wrdreg s20  }
0x9: {  	s22 =	simm.s32 $0xA200;
	[dreg:$0xe] =	wrdreg s21  }
0xa: {  	s23 =	simm.s32 $0xAA00;
	[dreg:$0xf] =	wrdreg s22  }
0xb: {  	s24 =	simm.s32 $0xB200;
	[dreg:$0x10] =	wrdreg s23  }
0xc: {  	s4 =	srdreg.scid;
	s25 =	simm.s32 $0xBA00;
	[dreg:$0x11] =	wrdreg s24  }
0xd: {  	s7 =	stileid.u32;
	s26 =	simm.s32 $0xC200;
	[dreg:$0x12] =	wrdreg s25  }
0xe: {  	s10 =	simm.s32 $0xF200;
	s11 =	simm.s32 $0xFA00;
	[dreg:$0x13] =	wrdreg s26  }
0xf: {  	s12 =	simm.s32 $0x10A00;
	s13 =	simm.s32 $0x11200;
	[dreg:$0x19] =	wrdreg s10  }
0x10: {  	s14 =	simm.s32 $0x11A00;
	s28 =	simm.s32 $0x4A00;
	[dreg:$0x1a] =	wrdreg s11  }
0x11: {  	s29 =	simm.s32 $0x5200;
	s30 =	simm.s32 $0x5A00;
	[dreg:$0x1b] =	wrdreg s12  }
0x12: {  	s31 =	simm.s32 $0x6200;
	s4 =	sand.u32 $0x1, s4;
	[dreg:$0x1c] =	wrdreg s13  }
0x13: {  	s5 =	sshll.u32 s7, $0x1;
	s9 =	simm.s32 $0xEA00;
	[dreg:$0x1d] =	wrdreg s14  }
0x14: {  	s7 =	sshll.u32 s7, $0x7;
	s18 =	simm.s32 $0x13A00;
	[dreg:$0x18] =	wrdreg s9  }
0x15: {  	s6 =	sshll.u32 s4, $0x6;
	s19 =	simm.s32 $0x14200;
	[smem:$0x7F5] =	sst s18  }
0x16: {  	s5 =	sor.u32 s4, s5;
	s20 =	simm.s32 $0x14A00;
	[smem:$0x7F6] =	sst s19  }
0x17: {  	s12 =	simm.s32 $0x200;
	s21 =	simm.s32 $0x15200;
	[smem:$0x7F7] =	sst s20  }
0x18: {  	s22 =	simm.s32 $0x15A00;
	s23 =	simm.s32 $0x16200;
	[smem:$0x7F8] =	sst s21  }
0x19: {  	s24 =	simm.s32 $0x16A00;
	s25 =	simm.s32 $0x17200;
	[smem:$0x7F9] =	sst s22  }
0x1a: {  	s26 =	simm.s32 $0x17A00;
	s11 =	simm.s32 $0x5;
	[smem:$0x7FA] =	sst s23  }
0x1b: {  	s13 =	simm.s32 $0x6;
	s10 =	simm.s32 $0x7A00;
	[smem:$0x7FB] =	sst s24  }
0x1c: {  	s6 =	sadd.s32 s6, s2;
	s8 =	sshll.u32 s5, $0x4;
	[smem:$0x7FC] =	sst s25  }
0x1d: {  	s5 =	sshll.u32 s5, $0xE;
	s9 =	simm.s32 $0x8;
	[smem:$0x7FD] =	sst s26  }
0x1e: {  	s19 =	simm.s32 $0xA00;
	s20 =	simm.s32 $0x1200;
	s5 =	sadd.s32 s0, s5  }
0x1f: {  	s6 =	sadd.s32 s7, s6;
	s7 =	simm.s32 $0xDA00;
	[smem:$0x7F3] =	sst s5  }
0x20: {  	s2 =	sadd.s32 s8, s2;
	s8 =	simm.s32 $0xE200;
	[dreg:$0x16] =	wrdreg s7  }
0x21: {  	s21 =	simm.s32 $0x1A00;
	s6 =	sadd.s32 $0x1800, s6;
	[dreg:$0x17] =	wrdreg s8  }
0x22: {  	s22 =	simm.s32 $0x2200;
	s15 =	sadd.s32 $0x1400, s2;
	[dreg:$0x5] =	wrdreg s6  }
0x23: {  	s23 =	simm.s32 $0x2A00;
	s2 =	sadd.s32 $0x1600, s2;
	[dreg:$0x6] =	wrdreg s15  }
0x24: {  	s24 =	simm.s32 $0x3200;
	s0 =	sadd.s32 $0x1000, s5;
	[dreg:$0x7] =	wrdreg s2  }
0x25: {  	s25 =	simm.s32 $0x3A00;
	s16 =	sadd.s32 $0x2000, s5;
	[dreg:$0x8] =	wrdreg s0  }
0x26: {  	s26 =	simm.s32 $0x4200;
	s17 =	sadd.s32 $0x3000, s5;
	[dreg:$0x9] =	wrdreg s16  }
0x27: {  	s5 =	ssub.s32 $0x2, s4;
	[dreg:$0xa] =	wrdreg s17;
	s2 =	simm.s32 $0xCA00  }
0x28: {  	s7 =	sadd.s32 $0x300, s1;
	s6 =	simm.s32 $0xD200;
	[dreg:$0x14] =	wrdreg s2  }
0x29: {  	s4 =	sshrl.u32 s5, $0x1;
	s15 =	simm.s32 $0x12200;
	[dreg:$0x15] =	wrdreg s6  }
0x2a: {  	s16 =	simm.s32 $0x12A00;
	s17 =	simm.s32 $0x13200;
	[dreg:$0x1e] =	wrdreg s15  }
0x2b: {  	v2 =	vlaneseq.u32;
	s0 =	simm.s32 $0x4;
	s2 =	ssub.s32 s5, s4;
	[dreg:$0x1f] =	wrdreg s16  }
0x2c: {  	vm0 =	vmmov $0xffff;
	v1 =	vshrl.u32 v2, $0x3;
	s5 =	sadd.s32 $0x100, s1;
	s6 =	sadd.s32 $0x200, s1;
	[smem:$0x7F4] =	sst s17  }
0x2d: {  	v0 =	vand.u32 $0x7, v2;
	v2 =	vor.u32 $0x8, v2;
	v1 =	vmul.u32 $0x8, v1;
	s15 =	simm.s32 $0x1;
	s4 =	simm.s32 $0x7200;
	s8 =	smax.u32 s2, $0x1  }
.LBB2_1:
0x2e: {  	s14 =	rddreg [dreg:$0x5]  }
0x2f: {  	[tilespmem:s3], [sflag:$0x8] =	stream.linear.gather [hbm4b:s14+s3], $0x200, $0x38;
	[tilespmem:$0x18300] =	vst v63  }
0x30: {  	_ =	swait.ge [sflag:s9], $0x200  }
0x31: {  	[sflag:s9] =	ssyncset.done $0x0  }
0x32: {  	s17 =	simm.s32 $0x18280;
	s2 =	rddreg [dreg:$0x6];
	[sflag:s9] =	ssyncadd.s32 $0xFFFFFE00  }
0x33: {  	[tilespmem:s17], [sflag:$0x8] =	stream.linear.gather [hbm4b:s2+s3], $0x80, $0x38;
	[tilespmem:$0x18300] =	vst v63  }
0x34: {  	_ =	swait.ge [sflag:s9], $0x80  }
0x35: {  	[sflag:s9] =	ssyncset.done $0x0  }
0x36: {  	s18 =	simm.s32 $0x18200;
	s16 =	rddreg [dreg:$0x7];
	[sflag:s9] =	ssyncadd.s32 $0xFFFFFF80  }
0x37: {  	[tilespmem:s18], [sflag:$0x8] =	stream.linear.gather [hbm4b:s16+s3], $0x80, $0x38;
	[tilespmem:$0x18300] =	vst v63  }
0x38: {  	_ =	swait.ge [sflag:s9], $0x80  }
0x39: {  	s2 =	rddreg [dreg:$0x4];
	[sflag:s9] =	ssyncset.done $0x0  }
0x3a: {  	s16 =	rddreg [dreg:$0xb];
	[sflag:s9] =	ssyncadd.s32 $0xFFFFFF80  }
0x3b: {  	[hbm4b:s2+s16] =	stream.indirect.scatter [tilespmem:s18], [sflag:$0x7], $0x1, s17, s16, $0xb8;
	[tilespmem:$0x18300] =	vst v63  }
0x3c: {  	s18 =	sld [smem:$0x7F3];
	_ =	sdelay $0x2  }
0x3d: {  	[tilespmem:s12], [sflag:$0x1] =	stream.linear.gather [hbm4b:s18+s3], $0x8000, $0x38;
	[tilespmem:$0x18300] =	vst v63  }
0x3e: {  	s14 =	rddreg [dreg:$0x8];
	s17 =	simm.s32 $0x8200  }
0x3f: {  	[tilespmem:s17], [sflag:$0x2] =	stream.linear.gather [hbm4b:s14+s3], $0x8000, $0x38;
	[tilespmem:$0x18300] =	vst v63  }
0x40: {  	s2 =	rddreg [dreg:$0x9];
	s18 =	simm.s32 $0x10200  }
0x41: {  	[tilespmem:s18], [sflag:$0x3] =	stream.linear.gather [hbm4b:s2+s3], $0x8000, $0x38;
	[tilespmem:$0x18300] =	vst v63  }
0x42: {  	_ =	swait.ge [sflag:s15], $0x8000  }
0x43: {  	[sflag:s15] =	ssyncset.done $0x0  }
0x44: {  	[sflag:s15] =	ssyncadd.s32 $0xFFFF8000  }
0x45: {  	v3 =	vld [tilespmem:$0x0];
	_ =	sdelay $0x4  }
0x46: {  	v4 =	vshll.u32 v3, $0x3  }
0x47: {  	v3 =	vand.u32 $0x7, v3;
	v4 =	vand.u32 $0xFFFFFFC0, v4  }
0x48: {  	v3 =	vor.u32 v3, v4  }
0x49: {  	v4 =	vperm.xlane v3, v0;
	_ =	sdelay $0x1  }
0x4a: {  	v4 =	vadd.s32 v1, v4;
	_ =	sdelay $0x4  }
0x4b: {  	[hbm4b:s1+s3] =	stream.indirect_vreg.scatter [tilespmem:s12], [sflag:$0x4], $0x80, v4, vm0, $0xb8;
	[tilespmem:$0x18300] =	vst v63  }
0x4c: {  	v3 =	vperm.xlane v3, v2  }
0x4d: {  	[hbm4b:s5+s3] =	stream.indirect_vreg.scatter [tilespmem:s19], [sflag:$0x4], $0x80, v4, vm0, $0xb8;
	[tilespmem:$0x18300] =	vst v63  }
0x4e: {  	v3 =	vadd.s32 v1, v3  }
0x4f: {  	[hbm4b:s6+s3] =	stream.indirect_vreg.scatter [tilespmem:s20], [sflag:$0x4], $0x80, v4, vm0, $0xb8;
	[tilespmem:$0x18300] =	vst v63  }
0x50: {  	_ = 	snop  }
0x51: {  	[hbm4b:s7+s3] =	stream.indirect_vreg.scatter [tilespmem:s21], [sflag:$0x4], $0x80, v4, vm0, $0xb8;
	[tilespmem:$0x18300] =	vst v63  }
0x52: {  	_ = 	snop  }
0x53: {  	[hbm4b:s1+s3] =	stream.indirect_vreg.scatter [tilespmem:s22], [sflag:$0x4], $0x80, v3, vm0, $0xb8;
	[tilespmem:$0x18300] =	vst v63  }
0x54: {  	_ = 	snop  }
0x55: {  	[hbm4b:s5+s3] =	stream.indirect_vreg.scatter [tilespmem:s23], [sflag:$0x4], $0x80, v3, vm0, $0xb8;
	[tilespmem:$0x18300] =	vst v63  }
0x56: {  	_ = 	snop  }
0x57: {  	[hbm4b:s6+s3] =	stream.indirect_vreg.scatter [tilespmem:s24], [sflag:$0x4], $0x80, v3, vm0, $0xb8;
	[tilespmem:$0x18300] =	vst v63  }
0x58: {  	_ = 	snop  }
0x59: {  	[hbm4b:s7+s3] =	stream.indirect_vreg.scatter [tilespmem:s25], [sflag:$0x4], $0x80, v3, vm0, $0xb8;
	[tilespmem:$0x18300] =	vst v63  }
0x5a: {  	v3 =	vld [tilespmem:$0x10];
	_ =	sdelay $0x4  }
0x5b: {  	v57 =	vshll.u32 v3, $0x3  }
0x5c: {  	v3 =	vand.u32 $0x7, v3;
	v4 =	vand.u32 $0xFFFFFFC0, v57  }
0x5d: {  	v3 =	vor.u32 v3, v4  }
0x5e: {  	v4 =	vperm.xlane v3, v0;
	_ =	sdelay $0x1  }
0x5f: {  	v4 =	vadd.s32 v1, v4;
	_ =	sdelay $0x4  }
0x60: {  	[hbm4b:s1+s3] =	stream.indirect_vreg.scatter [tilespmem:s26], [sflag:$0x4], $0x80, v4, vm0, $0xb8;
	[tilespmem:$0x18300] =	vst v63  }
0x61: {  	v3 =	vperm.xlane v3, v2  }
0x62: {  	[hbm4b:s5+s3] =	stream.indirect_vreg.scatter [tilespmem:s28], [sflag:$0x4], $0x80, v4, vm0, $0xb8;
	[tilespmem:$0x18300] =	vst v63  }
0x63: {  	v3 =	vadd.s32 v1, v3  }
0x64: {  	[hbm4b:s6+s3] =	stream.indirect_vreg.scatter [tilespmem:s29], [sflag:$0x4], $0x80, v4, vm0, $0xb8;
	[tilespmem:$0x18300] =	vst v63  }
0x65: {  	_ = 	snop  }
0x66: {  	[hbm4b:s7+s3] =	stream.indirect_vreg.scatter [tilespmem:s30], [sflag:$0x4], $0x80, v4, vm0, $0xb8;
	[tilespmem:$0x18300] =	vst v63  }
0x67: {  	_ = 	snop  }
0x68: {  	[hbm4b:s1+s3] =	stream.indirect_vreg.scatter [tilespmem:s31], [sflag:$0x4], $0x80, v3, vm0, $0xb8;
	[tilespmem:$0x18300] =	vst v63  }
0x69: {  	s2 =	simm.s32 $0x6A00  }
0x6a: {  	[hbm4b:s5+s3] =	stream.indirect_vreg.scatter [tilespmem:s2], [sflag:$0x4], $0x80, v3, vm0, $0xb8;
	[tilespmem:$0x18300] =	vst v63  }
0x6b: {  	_ = 	snop  }
0x6c: {  	[hbm4b:s6+s3] =	stream.indirect_vreg.scatter [tilespmem:s4], [sflag:$0x4], $0x80, v3, vm0, $0xb8;
	[tilespmem:$0x18300] =	vst v63  }
0x6d: {  	_ = 	snop  }
0x6e: {  	[hbm4b:s7+s3] =	stream.indirect_vreg.scatter [tilespmem:s10], [sflag:$0x4], $0x80, v3, vm0, $0xb8;
	[tilespmem:$0x18300] =	vst v63  }
0x6f: {  	_ =	swait.ge [sflag:s0], $0x8000  }
0x70: {  	[sflag:s0] =	ssyncset.done $0x0  }
0x71: {  	s16 =	rddreg [dreg:$0xa];
	[sflag:s0] =	ssyncadd.s32 $0xFFFF8000  }
0x72: {  	[tilespmem:s12], [sflag:$0x1] =	stream.linear.gather [hbm4b:s16+s3], $0x8000, $0x38;
	[tilespmem:$0x18300] =	vst v63  }
0x73: {  	s16 =	simm.s32 $0x2  }
0x74: {  	_ =	swait.ge [sflag:s16], $0x8000  }
0x75: {  	[sflag:s16] =	ssyncset.done $0x0  }
0x76: {  	[sflag:s16] =	ssyncadd.s32 $0xFFFF8000  }
0x77: {  	v3 =	vld [tilespmem:$0x80];
	_ =	sdelay $0x4  }
0x78: {  	v58 =	vshll.u32 v3, $0x3  }
0x79: {  	v3 =	vand.u32 $0x7, v3;
	v4 =	vand.u32 $0xFFFFFFC0, v58  }
0x7a: {  	v3 =	vor.u32 v3, v4  }
0x7b: {  	v4 =	vperm.xlane v3, v0;
	_ =	sdelay $0x1  }
0x7c: {  	v4 =	vadd.s32 v1, v4;
	_ =	sdelay $0x4  }
0x7d: {  	[hbm4b:s1+s3] =	stream.indirect_vreg.scatter [tilespmem:s17], [sflag:$0x5], $0x80, v4, vm0, $0xb8;
	[tilespmem:$0x18300] =	vst v63  }
0x7e: {  	s14 =	rddreg [dreg:$0xc];
	v3 =	vperm.xlane v3, v2  }
0x7f: {  	[hbm4b:s5+s3] =	stream.indirect_vreg.scatter [tilespmem:s14], [sflag:$0x5], $0x80, v4, vm0, $0xb8;
	[tilespmem:$0x18300] =	vst v63  }
0x80: {  	s16 =	rddreg [dreg:$0xd];
	v3 =	vadd.s32 v1, v3  }
0x81: {  	[hbm4b:s6+s3] =	stream.indirect_vreg.scatter [tilespmem:s16], [sflag:$0x5], $0x80, v4, vm0, $0xb8;
	[tilespmem:$0x18300] =	vst v63  }
0x82: {  	s17 =	rddreg [dreg:$0xe]  }
0x83: {  	[hbm4b:s7+s3] =	stream.indirect_vreg.scatter [tilespmem:s17], [sflag:$0x5], $0x80, v4, vm0, $0xb8;
	[tilespmem:$0x18300] =	vst v63  }
0x84: {  	s16 =	rddreg [dreg:$0xf]  }
0x85: {  	[hbm4b:s1+s3] =	stream.indirect_vreg.scatter [tilespmem:s16], [sflag:$0x5], $0x80, v3, vm0, $0xb8;
	[tilespmem:$0x18300] =	vst v63  }
0x86: {  	s17 =	rddreg [dreg:$0x10]  }
0x87: {  	[hbm4b:s5+s3] =	stream.indirect_vreg.scatter [tilespmem:s17], [sflag:$0x5], $0x80, v3, vm0, $0xb8;
	[tilespmem:$0x18300] =	vst v63  }
0x88: {  	s16 =	rddreg [dreg:$0x11]  }
0x89: {  	[hbm4b:s6+s3] =	stream.indirect_vreg.scatter [tilespmem:s16], [sflag:$0x5], $0x80, v3, vm0, $0xb8;
	[tilespmem:$0x18300] =	vst v63  }
0x8a: {  	s17 =	rddreg [dreg:$0x12]  }
0x8b: {  	[hbm4b:s7+s3] =	stream.indirect_vreg.scatter [tilespmem:s17], [sflag:$0x5], $0x80, v3, vm0, $0xb8;
	[tilespmem:$0x18300] =	vst v63  }
0x8c: {  	v3 =	vld [tilespmem:$0x90];
	_ =	sdelay $0x4  }
0x8d: {  	v59 =	vshll.u32 v3, $0x3  }
0x8e: {  	v3 =	vand.u32 $0x7, v3;
	v4 =	vand.u32 $0xFFFFFFC0, v59  }
0x8f: {  	v3 =	vor.u32 v3, v4  }
0x90: {  	v4 =	vperm.xlane v3, v0;
	_ =	sdelay $0x1  }
0x91: {  	v4 =	vadd.s32 v1, v4;
	_ =	sdelay $0x3  }
0x92: {  	s16 =	rddreg [dreg:$0x13]  }
0x93: {  	[hbm4b:s1+s3] =	stream.indirect_vreg.scatter [tilespmem:s16], [sflag:$0x5], $0x80, v4, vm0, $0xb8;
	[tilespmem:$0x18300] =	vst v63  }
0x94: {  	s17 =	rddreg [dreg:$0x14];
	v3 =	vperm.xlane v3, v2  }
0x95: {  	[hbm4b:s5+s3] =	stream.indirect_vreg.scatter [tilespmem:s17], [sflag:$0x5], $0x80, v4, vm0, $0xb8;
	[tilespmem:$0x18300] =	vst v63  }
0x96: {  	s14 =	rddreg [dreg:$0x15];
	v3 =	vadd.s32 v1, v3  }
0x97: {  	[hbm4b:s6+s3] =	stream.indirect_vreg.scatter [tilespmem:s14], [sflag:$0x5], $0x80, v4, vm0, $0xb8;
	[tilespmem:$0x18300] =	vst v63  }
0x98: {  	s17 =	rddreg [dreg:$0x16]  }
0x99: {  	[hbm4b:s7+s3] =	stream.indirect_vreg.scatter [tilespmem:s17], [sflag:$0x5], $0x80, v4, vm0, $0xb8;
	[tilespmem:$0x18300] =	vst v63  }
0x9a: {  	s14 =	rddreg [dreg:$0x17]  }
0x9b: {  	[hbm4b:s1+s3] =	stream.indirect_vreg.scatter [tilespmem:s14], [sflag:$0x5], $0x80, v3, vm0, $0xb8;
	[tilespmem:$0x18300] =	vst v63  }
0x9c: {  	s17 =	rddreg [dreg:$0x18]  }
0x9d: {  	[hbm4b:s5+s3] =	stream.indirect_vreg.scatter [tilespmem:s17], [sflag:$0x5], $0x80, v3, vm0, $0xb8;
	[tilespmem:$0x18300] =	vst v63  }
0x9e: {  	s14 =	rddreg [dreg:$0x19]  }
0x9f: {  	[hbm4b:s6+s3] =	stream.indirect_vreg.scatter [tilespmem:s14], [sflag:$0x5], $0x80, v3, vm0, $0xb8;
	[tilespmem:$0x18300] =	vst v63  }
0xa0: {  	s17 =	rddreg [dreg:$0x1a]  }
0xa1: {  	[hbm4b:s7+s3] =	stream.indirect_vreg.scatter [tilespmem:s17], [sflag:$0x5], $0x80, v3, vm0, $0xb8;
	[tilespmem:$0x18300] =	vst v63  }
0xa2: {  	s17 =	simm.s32 $0x3  }
0xa3: {  	_ =	swait.ge [sflag:s17], $0x8000  }
0xa4: {  	[sflag:s17] =	ssyncset.done $0x0  }
0xa5: {  	[sflag:s17] =	ssyncadd.s32 $0xFFFF8000  }
0xa6: {  	v3 =	vld [tilespmem:$0x100];
	_ =	sdelay $0x4  }
0xa7: {  	v60 =	vshll.u32 v3, $0x3  }
0xa8: {  	v3 =	vand.u32 $0x7, v3;
	v4 =	vand.u32 $0xFFFFFFC0, v60  }
0xa9: {  	v3 =	vor.u32 v3, v4  }
0xaa: {  	v4 =	vperm.xlane v3, v0;
	_ =	sdelay $0x1  }
0xab: {  	v4 =	vadd.s32 v1, v4;
	_ =	sdelay $0x3  }
0xac: {  	s16 =	rddreg [dreg:$0x1b]  }
0xad: {  	[hbm4b:s1+s3] =	stream.indirect_vreg.scatter [tilespmem:s18], [sflag:$0x6], $0x80, v4, vm0, $0xb8;
	[tilespmem:$0x18300] =	vst v63  }
0xae: {  	s17 =	rddreg [dreg:$0x1c];
	v3 =	vperm.xlane v3, v2  }
0xaf: {  	[hbm4b:s5+s3] =	stream.indirect_vreg.scatter [tilespmem:s16], [sflag:$0x6], $0x80, v4, vm0, $0xb8;
	[tilespmem:$0x18300] =	vst v63  }
0xb0: {  	v3 =	vadd.s32 v1, v3;
	s18 =	rddreg [dreg:$0x1d]  }
0xb1: {  	[hbm4b:s6+s3] =	stream.indirect_vreg.scatter [tilespmem:s17], [sflag:$0x6], $0x80, v4, vm0, $0xb8;
	[tilespmem:$0x18300] =	vst v63  }
0xb2: {  	s17 =	rddreg [dreg:$0x1e]  }
0xb3: {  	[hbm4b:s7+s3] =	stream.indirect_vreg.scatter [tilespmem:s18], [sflag:$0x6], $0x80, v4, vm0, $0xb8;
	[tilespmem:$0x18300] =	vst v63  }
0xb4: {  	s18 =	rddreg [dreg:$0x1f]  }
0xb5: {  	[hbm4b:s1+s3] =	stream.indirect_vreg.scatter [tilespmem:s17], [sflag:$0x6], $0x80, v3, vm0, $0xb8;
	[tilespmem:$0x18300] =	vst v63  }
0xb6: {  	s17 =	sld [smem:$0x7F4]  }
0xb7: {  	[hbm4b:s5+s3] =	stream.indirect_vreg.scatter [tilespmem:s18], [sflag:$0x6], $0x80, v3, vm0, $0xb8;
	[tilespmem:$0x18300] =	vst v63  }
0xb8: {  	s18 =	sld [smem:$0x7F5]  }
0xb9: {  	[hbm4b:s6+s3] =	stream.indirect_vreg.scatter [tilespmem:s17], [sflag:$0x6], $0x80, v3, vm0, $0xb8;
	[tilespmem:$0x18300] =	vst v63  }
0xba: {  	_ = 	snop  }
0xbb: {  	[hbm4b:s7+s3] =	stream.indirect_vreg.scatter [tilespmem:s18], [sflag:$0x6], $0x80, v3, vm0, $0xb8;
	[tilespmem:$0x18300] =	vst v63  }
0xbc: {  	v3 =	vld [tilespmem:$0x110];
	_ =	sdelay $0x4  }
0xbd: {  	v61 =	vshll.u32 v3, $0x3  }
0xbe: {  	v3 =	vand.u32 $0x7, v3;
	v4 =	vand.u32 $0xFFFFFFC0, v61  }
0xbf: {  	v3 =	vor.u32 v3, v4  }
0xc0: {  	v4 =	vperm.xlane v3, v0;
	_ =	sdelay $0x1  }
0xc1: {  	v4 =	vadd.s32 v1, v4;
	_ =	sdelay $0x1  }
0xc2: {  	s16 =	sld [smem:$0x7F6];
	_ =	sdelay $0x1  }
0xc3: {  	s17 =	sld [smem:$0x7F7]  }
0xc4: {  	[hbm4b:s1+s3] =	stream.indirect_vreg.scatter [tilespmem:s16], [sflag:$0x6], $0x80, v4, vm0, $0xb8;
	[tilespmem:$0x18300] =	vst v63  }
0xc5: {  	s18 =	sld [smem:$0x7F8];
	v3 =	vperm.xlane v3, v2  }
0xc6: {  	[hbm4b:s5+s3] =	stream.indirect_vreg.scatter [tilespmem:s17], [sflag:$0x6], $0x80, v4, vm0, $0xb8;
	[tilespmem:$0x18300] =	vst v63  }
0xc7: {  	v3 =	vadd.s32 v1, v3;
	s17 =	sld [smem:$0x7F9]  }
0xc8: {  	[hbm4b:s6+s3] =	stream.indirect_vreg.scatter [tilespmem:s18], [sflag:$0x6], $0x80, v4, vm0, $0xb8;
	[tilespmem:$0x18300] =	vst v63  }
0xc9: {  	s18 =	sld [smem:$0x7FA]  }
0xca: {  	[hbm4b:s7+s3] =	stream.indirect_vreg.scatter [tilespmem:s17], [sflag:$0x6], $0x80, v4, vm0, $0xb8;
	[tilespmem:$0x18300] =	vst v63  }
0xcb: {  	s17 =	sld [smem:$0x7FB]  }
0xcc: {  	[hbm4b:s1+s3] =	stream.indirect_vreg.scatter [tilespmem:s18], [sflag:$0x6], $0x80, v3, vm0, $0xb8;
	[tilespmem:$0x18300] =	vst v63  }
0xcd: {  	s18 =	sld [smem:$0x7FC]  }
0xce: {  	[hbm4b:s5+s3] =	stream.indirect_vreg.scatter [tilespmem:s17], [sflag:$0x6], $0x80, v3, vm0, $0xb8;
	[tilespmem:$0x18300] =	vst v63  }
0xcf: {  	s17 =	sld [smem:$0x7FD]  }
0xd0: {  	[hbm4b:s6+s3] =	stream.indirect_vreg.scatter [tilespmem:s18], [sflag:$0x6], $0x80, v3, vm0, $0xb8;
	[tilespmem:$0x18300] =	vst v63  }
0xd1: {  	_ = 	snop  }
0xd2: {  	[hbm4b:s7+s3] =	stream.indirect_vreg.scatter [tilespmem:s17], [sflag:$0x6], $0x80, v3, vm0, $0xb8;
	[tilespmem:$0x18300] =	vst v63  }
0xd3: {  	_ =	swait.ge [sflag:s15], $0x8000  }
0xd4: {  	[sflag:s15] =	ssyncset.done $0x0  }
0xd5: {  	[sflag:s15] =	ssyncadd.s32 $0xFFFF8000  }
0xd6: {  	v3 =	vld [tilespmem:$0x180];
	_ =	sdelay $0x4  }
0xd7: {  	v62 =	vshll.u32 v3, $0x3  }
0xd8: {  	v3 =	vand.u32 $0x7, v3;
	v4 =	vand.u32 $0xFFFFFFC0, v62  }
0xd9: {  	v3 =	vor.u32 v3, v4  }
0xda: {  	v4 =	vperm.xlane v3, v0;
	_ =	sdelay $0x1  }
0xdb: {  	v4 =	vadd.s32 v1, v4;
	_ =	sdelay $0x4  }
0xdc: {  	[hbm4b:s1+s3] =	stream.indirect_vreg.scatter [tilespmem:s12], [sflag:$0x4], $0x80, v4, vm0, $0xb8;
	[tilespmem:$0x18300] =	vst v63  }
0xdd: {  	v3 =	vperm.xlane v3, v2  }
0xde: {  	[hbm4b:s5+s3] =	stream.indirect_vreg.scatter [tilespmem:s19], [sflag:$0x4], $0x80, v4, vm0, $0xb8;
	[tilespmem:$0x18300] =	vst v63  }
0xdf: {  	v3 =	vadd.s32 v1, v3  }
0xe0: {  	[hbm4b:s6+s3] =	stream.indirect_vreg.scatter [tilespmem:s20], [sflag:$0x4], $0x80, v4, vm0, $0xb8;
	[tilespmem:$0x18300] =	vst v63  }
0xe1: {  	_ = 	snop  }
0xe2: {  	[hbm4b:s7+s3] =	stream.indirect_vreg.scatter [tilespmem:s21], [sflag:$0x4], $0x80, v4, vm0, $0xb8;
	[tilespmem:$0x18300] =	vst v63  }
0xe3: {  	_ = 	snop  }
0xe4: {  	[hbm4b:s1+s3] =	stream.indirect_vreg.scatter [tilespmem:s22], [sflag:$0x4], $0x80, v3, vm0, $0xb8;
	[tilespmem:$0x18300] =	vst v63  }
0xe5: {  	_ = 	snop  }
0xe6: {  	[hbm4b:s5+s3] =	stream.indirect_vreg.scatter [tilespmem:s23], [sflag:$0x4], $0x80, v3, vm0, $0xb8;
	[tilespmem:$0x18300] =	vst v63  }
0xe7: {  	_ = 	snop  }
0xe8: {  	[hbm4b:s6+s3] =	stream.indirect_vreg.scatter [tilespmem:s24], [sflag:$0x4], $0x80, v3, vm0, $0xb8;
	[tilespmem:$0x18300] =	vst v63  }
0xe9: {  	_ = 	snop  }
0xea: {  	[hbm4b:s7+s3] =	stream.indirect_vreg.scatter [tilespmem:s25], [sflag:$0x4], $0x80, v3, vm0, $0xb8;
	[tilespmem:$0x18300] =	vst v63  }
0xeb: {  	v3 =	vld [tilespmem:$0x190];
	_ =	sdelay $0x4  }
0xec: {  	v63 =	vshll.u32 v3, $0x3  }
0xed: {  	v3 =	vand.u32 $0x7, v3;
	v4 =	vand.u32 $0xFFFFFFC0, v63  }
0xee: {  	v3 =	vor.u32 v3, v4  }
0xef: {  	v4 =	vperm.xlane v3, v0;
	_ =	sdelay $0x1  }
0xf0: {  	v4 =	vadd.s32 v1, v4;
	_ =	sdelay $0x4  }
0xf1: {  	[hbm4b:s1+s3] =	stream.indirect_vreg.scatter [tilespmem:s26], [sflag:$0x4], $0x80, v4, vm0, $0xb8;
	[tilespmem:$0x18300] =	vst v63  }
0xf2: {  	v3 =	vperm.xlane v3, v2  }
0xf3: {  	[hbm4b:s5+s3] =	stream.indirect_vreg.scatter [tilespmem:s28], [sflag:$0x4], $0x80, v4, vm0, $0xb8;
	[tilespmem:$0x18300] =	vst v63  }
0xf4: {  	v3 =	vadd.s32 v1, v3  }
0xf5: {  	[hbm4b:s6+s3] =	stream.indirect_vreg.scatter [tilespmem:s29], [sflag:$0x4], $0x80, v4, vm0, $0xb8;
	[tilespmem:$0x18300] =	vst v63  }
0xf6: {  	_ = 	snop  }
0xf7: {  	[hbm4b:s7+s3] =	stream.indirect_vreg.scatter [tilespmem:s30], [sflag:$0x4], $0x80, v4, vm0, $0xb8;
	[tilespmem:$0x18300] =	vst v63  }
0xf8: {  	_ = 	snop  }
0xf9: {  	[hbm4b:s1+s3] =	stream.indirect_vreg.scatter [tilespmem:s31], [sflag:$0x4], $0x80, v3, vm0, $0xb8;
	[tilespmem:$0x18300] =	vst v63  }
0xfa: {  	_ = 	snop  }
0xfb: {  	[hbm4b:s5+s3] =	stream.indirect_vreg.scatter [tilespmem:s2], [sflag:$0x4], $0x80, v3, vm0, $0xb8;
	[tilespmem:$0x18300] =	vst v63  }
0xfc: {  	_ = 	snop  }
0xfd: {  	[hbm4b:s6+s3] =	stream.indirect_vreg.scatter [tilespmem:s4], [sflag:$0x4], $0x80, v3, vm0, $0xb8;
	[tilespmem:$0x18300] =	vst v63  }
0xfe: {  	s18 =	simm.s32 $0x7  }
0xff: {  	[hbm4b:s7+s3] =	stream.indirect_vreg.scatter [tilespmem:s10], [sflag:$0x4], $0x80, v3, vm0, $0xb8;
	[tilespmem:$0x18300] =	vst v63  }
0x100: {  	_ =	swait.ge [sflag:s18], $0x80  }
0x101: {  	[sflag:s18] =	ssyncset.done $0x0  }
0x102: {  	[sflag:s18] =	ssyncadd.s32 $0xFFFFFF80  }
0x103: {  	_ =	swait.ge [sflag:s11], $0x8000  }
0x104: {  	[sflag:s11] =	ssyncset.done $0x0  }
0x105: {  	[sflag:s11] =	ssyncadd.s32 $0xFFFF8000  }
0x106: {  	p0 =	sne.s32 s8, $0x1;
	_ =	swait.ge [sflag:s13], $0x8000  }
.Ltmp0:
0x107: {  	[sflag:s13] =	ssyncset.done $0x0;
	(pc) =	sbr.rel @p0 .LBB2_1-.Ltmp0, $4  }
0x108: {  	[sflag:s13] =	ssyncadd.s32 $0xFFFF8000  }
0x109: {  	_ =	swait.ge [sflag:s0], $0x8000  }
0x10a: {  	[sflag:s0] =	ssyncset.done $0x0  }
0x10b: {  	s8 =	sadd.s32 $0xFFFFFFFF, s8;
	[sflag:s0] =	ssyncadd.s32 $0xFFFF8000  }
0x10c: {  	_ =	sfence.sel $0x180000  }
0x10d: {  	[bflag:$0x0] =	sbarrier.arrive $0xFFFF  }
0x10e: {  	_ =	strace $0x90000047  }
0x10f: {  	s0 =	stileid.u32;
	[bflag:$0x2] =	sbarrier.arrive $0xFFFF  }
0x110: {  	p0 =	sne.s32 s0, $0x0;
	s0 =	rddreg [dreg:$0x3]  }
0x111: {  	s0 =	sadd.s32 @!p0 $0x100000, s0  }
0x112: {  	[sflag:s0] =	ssyncadd.tile.s32 @!p0 $0x1;
	_ =	shalt  }
.Lfunc_end2:
_tile_overlayer_lowered:
.L_overlay_start_2:
0x113: {  	(tag) =	ssettag $0x2  }
0x114: {  	s0 =	rddreg [dreg:$0x0];
	s2 =	stileid.u32  }
0x115: {  	s1 =	rddreg [dreg:$0x1];
	p0 =	sne.s32 s2, $0x0  }
0x116: {  	s3 =	rddreg [dreg:$0x2];
	[bflag:$0x3] =	sbarrier.arrive $0xFFFF;
	s2 =	simm.s32 @!p0 $0x1C08  }
0x117: {  	[timem:s3], [sflag:s2] =	dma.local @!p0 [hbm:s0], s1  }
0x118: {  	s0 =	simm.s32 @!p0 $0x8  }
0x119: {  	_ =	swait.ge @!p0 [sflag:s0], s1  }
0x11a: {  	s1 =	ssub.s32 @!p0 $0x0, s1;
	[sflag:s0] =	ssyncset.done @!p0 $0x0  }
0x11b: {  	[sflag:s0] =	ssyncadd.s32 @!p0 s1  }
0x11c: {  	[bflag:$0x3] =	sbarrier.arrive $0xFFFF  }
0x11d: {  	_ =	shalt  }

// kernel: kernel.9.cloned.1.call-start
scs
__scs_entry_jumppad:
0x0: {  	(pc) =	sbr.rel $0x88, $3  }
0x1: {  	(tag) =	ssettag $0x0;
	lr =	simm.s32 $0x1  }
0x2: {  	[smem:$0x3F9C] =	sst lr;
	_ =	strace $0xD0000000  }
0x3: {  	_ = 	snop  }
0x4: {  	_ = 	snop  }
0x5: {  	_ = 	snop  }
0x6: {  	_ = 	snop  }
0x7: {  	_ = 	snop  }
__scs_overlays_trampoline_lowered:
0x8: {  	[smem:$0x3FAB] =	sst s0  }
0x9: {  	[smem:$0x3FAC] =	sst s1  }
0xa: {  	[smem:$0x3FAD] =	sst s2  }
0xb: {  	[smem:$0x3FAE] =	sst s3  }
0xc: {  	[smem:$0x3FAF] =	sst s4  }
0xd: {  	[smem:$0x3FB0] =	sst s5  }
0xe: {  	[smem:$0x3FB1] =	sst s6  }
0xf: {  	[smem:$0x3FB2] =	sst s7  }
0x10: {  	[smem:$0x3FB3] =	sst s8  }
0x11: {  	[smem:$0x3FB4] =	sst s9;
	s0 =	simm.s32 @!p0 $0x0  }
0x12: {  	s1 =	sld [smem:$0x3F9A];
	s0 =	simm.s32 @p0 $0x1  }
0x13: {  	[smem:$0x3FB5] =	sst s0;
	s0 =	simm.s32 @!p1 $0x0  }
0x14: {  	s2 =	sld [smem:$0x3F99];
	s0 =	simm.s32 @p1 $0x1  }
0x15: {  	[smem:$0x3FB6] =	sst s0;
	s0 =	simm.s32 @!p2 $0x0  }
0x16: {  	s3 =	sld [smem:$0x3FDB];
	s0 =	simm.s32 @p2 $0x1  }
0x17: {  	s4 =	simm.s32 $0x1BF5;
	[smem:$0x3FB8] =	sst s0  }
0x18: {  	s0 =	sld [smem:$0x3F9B];
	_ =	swait.ge [sflag:s4], $0x0  }
0x19: {  	s7 =	sld [smem:$0x3F9C]  }
0x1a: {  	s8 =	sadd.s32 $0xFFFFE003, lr  }
0x1b: {  	s9 =	sadd.s32 $0xFFFFFEF7, lr;
	s5 =	simm.s32 $0xFFFFFFFF;
	p2 =	slt.u32 s8, $0xFFFFF086  }
0x1c: {  	p1 =	slt.u32 s9, $0xF7A;
	s5 =	simm.s32 @!p2 $0x0  }
0x1d: {  	s5 =	simm.s32 @p1 $0x1;
	p0 =	seq.s32 s7, s2  }
0x1e: {  	s7 =	smul.u32 @!p0 $0xF7A, s2;
	p2 =	seq.s32 @!p0 s5, $0x0  }
0x1f: {  	s9 =	smul.u32 $0xF7A, s1;
	s8 =	simm.s32 @!p0 $0x1BF5;
	p2 =	por !p2, p0  }
0x20: {  	[sflag:s8] =	ssyncset.s32 @!p0 $0xFFFFF086;
	s6 =	sadd.s32 @!p0 s3, s7;
	s7 =	simm.s32 @!p0 $0x108  }
0x21: {  	s3 =	sadd.s32 s3, s9;
	s6 =	sadd.s32 @!p0 $0x88, s6;
	s7 =	simm.s32 @p2 $0x1082  }
0x22: {  	[simem:s7], [sflag:s8] =	dma.local @!p0 [hbm:s6], $0xF7A  }
0x23: {  	s9 =	sor.u32 $0xD0000000, s2;
	s6 =	simm.s32 $0x108;
	_ =	swait.ge @!p0 [sflag:s8], $0x0  }
0x24: {  	s3 =	sadd.s32 $0x88, s3;
	s6 =	simm.s32 @!p1 $0x1082;
	[sflag:s4] =	ssyncset.s32 $0xFFFFF086  }
0x25: {  	[simem:s6], [sflag:s4] =	dma.local [hbm:s3], $0xF7A  }
0x26: {  	[smem:$0x3F9C] =	sst s1;
	(tag) =	ssettag s2;
	_ =	strace s9  }
0x27: {  	s1 =	sld [smem:$0x3FAC]  }
0x28: {  	s2 =	sld [smem:$0x3FAD]  }
0x29: {  	s4 =	sld [smem:$0x3FAF]  }
0x2a: {  	p0 =	seq.s32 s5, $0x0;
	s5 =	sld [smem:$0x3FB0]  }
0x2b: {  	s6 =	sld [smem:$0x3FB1]  }
0x2c: {  	s7 =	sld [smem:$0x3FB2]  }
0x2d: {  	s3 =	simm.s32 $0x108;
	s8 =	sld [smem:$0x3FB3]  }
0x2e: {  	s3 =	simm.s32 @!p0 $0x1082;
	s9 =	sld [smem:$0x3FB4]  }
0x2f: {  	lr =	sadd.s32 s0, s3;
	s0 =	sld [smem:$0x3FAB]  }
0x30: {  	s3 =	sld [smem:$0x3FAE]  }
0x31: {  	[smem:$0x3FB7] =	sst s10  }
0x32: {  	s10 =	sld [smem:$0x3FB5];
	_ =	sdelay $0x3  }
0x33: {  	p0 =	seq.s32 s10, $0x1;
	s10 =	sld [smem:$0x3FB7];
	_ =	sdelay $0x3  }
0x34: {  	[smem:$0x3FB7] =	sst s10  }
0x35: {  	s10 =	sld [smem:$0x3FB6];
	_ =	sdelay $0x3  }
0x36: {  	p1 =	seq.s32 s10, $0x1;
	s10 =	sld [smem:$0x3FB7];
	_ =	sdelay $0x3  }
0x37: {  	[smem:$0x3FB7] =	sst s10  }
0x38: {  	s10 =	sld [smem:$0x3FB8]  }
0x39: {  	_ = 	snop;
	(pc) =	sbr.ind lr, $3  }
0x3a: {  	_ = 	snop  }
0x3b: {  	_ = 	snop  }
0x3c: {  	p2 =	seq.s32 s10, $0x1;
	s10 =	sld [smem:$0x3FB7]  }
0x3d: {  	_ =	shalt  }
0x3e: {  	_ =	shalt  }
0x3f: {  	_ =	shalt  }
0x40: {  	_ =	shalt  }
0x41: {  	_ =	shalt  }
0x42: {  	_ =	shalt  }
0x43: {  	_ =	shalt  }
0x44: {  	_ =	shalt  }
0x45: {  	_ =	shalt  }
0x46: {  	_ =	shalt  }
0x47: {  	_ =	shalt  }
0x48: {  	_ =	shalt  }
0x49: {  	_ =	shalt  }
0x4a: {  	_ =	shalt  }
0x4b: {  	_ =	shalt  }
0x4c: {  	_ =	shalt  }
0x4d: {  	_ =	shalt  }
0x4e: {  	_ =	shalt  }
0x4f: {  	_ =	shalt  }
0x50: {  	_ =	shalt  }
0x51: {  	_ =	shalt  }
0x52: {  	_ =	shalt  }
0x53: {  	_ =	shalt  }
0x54: {  	_ =	shalt  }
0x55: {  	_ =	shalt  }
0x56: {  	_ =	shalt  }
0x57: {  	_ =	shalt  }
0x58: {  	_ =	shalt  }
0x59: {  	_ =	shalt  }
0x5a: {  	_ =	shalt  }
0x5b: {  	_ =	shalt  }
0x5c: {  	_ =	shalt  }
0x5d: {  	_ =	shalt  }
0x5e: {  	_ =	shalt  }
0x5f: {  	_ =	shalt  }
0x60: {  	_ =	shalt  }
0x61: {  	_ =	shalt  }
0x62: {  	_ =	shalt  }
0x63: {  	_ =	shalt  }
0x64: {  	_ =	shalt  }
0x65: {  	_ =	shalt  }
0x66: {  	_ =	shalt  }
0x67: {  	_ =	shalt  }
0x68: {  	_ =	shalt  }
0x69: {  	_ =	shalt  }
0x6a: {  	_ =	shalt  }
0x6b: {  	_ =	shalt  }
0x6c: {  	_ =	shalt  }
0x6d: {  	_ =	shalt  }
0x6e: {  	_ =	shalt  }
0x6f: {  	_ =	shalt  }
0x70: {  	_ =	shalt  }
0x71: {  	_ =	shalt  }
0x72: {  	_ =	shalt  }
0x73: {  	_ =	shalt  }
0x74: {  	_ =	shalt  }
0x75: {  	_ =	shalt  }
0x76: {  	_ =	shalt  }
0x77: {  	_ =	shalt  }
0x78: {  	_ =	shalt  }
0x79: {  	_ =	shalt  }
0x7a: {  	_ =	shalt  }
0x7b: {  	_ =	shalt  }
0x7c: {  	_ =	shalt  }
0x7d: {  	_ =	shalt  }
0x7e: {  	_ =	shalt  }
0x7f: {  	_ =	shalt  }
0x80: {  	_ =	shalt  }
0x81: {  	_ =	shalt  }
0x82: {  	_ =	shalt  }
0x83: {  	_ =	shalt  }
0x84: {  	_ =	shalt  }
0x85: {  	_ =	shalt  }
0x86: {  	_ =	shalt  }
0x87: {  	_ =	shalt  }
.Lfunc_end0:
.L_simem_size_0:
called_computation.1_lowered:
.L_overlay_start_0:
0x88: {  	s2 =	sld [smem:$0x3FD9]  }
0x89: {  	s3 =	sld [smem:$0x3FFE];
	_ =	sdelay $0x1  }
0x8a: {  	s1 =	srdreg.scid  }
0x8b: {  	s0 =	sand.u32 $0x1, s1  }
0x8c: {  	s17 =	sshll.u32 s0, $0xA;
	s2 =	sadd.s32 s3, s2  }
0x8d: {  	s2 =	sadd.s32 s2, s17  }
0x8e: {  	[smem:$0x3FC3] =	sst s2  }
0x8f: {  	_ = 	snop  }
0x90: {  	s2 =	sld [smem:$0x3FD0];
	(tm) =	ssettm $0x1  }
0x91: {  	s18 =	sld [smem:$0x3FFB];
	_ =	sdelay $0x3  }
0x92: {  	_ =	strace s18  }
0x93: {  	s3 =	sld [smem:$0x3FFC];
	_ =	sdelay $0x3  }
0x94: {  	_ =	strace s3  }
0x95: {  	s3 =	sld [smem:$0x3FFD];
	_ =	sdelay $0x3  }
0x96: {  	_ =	strace s3  }
0x97: {  	_ =	strace $0x8FFFFFFF  }
0x98: {  	s19 =	sld [smem:$0x3FDB];
	_ =	sdelay $0x1  }
0x99: {  	s4 =	simm.s32 $_scs_section_size  }
0x9a: {  	s5 =	simm.s32 $_size__tile_overlayer_lowered;
	s6 =	simm.s32 $_tile_overlayer_lowered  }
0x9b: {  	s22 =	simm.s32 $0x1BFF;
	s21 =	sshll.u32 s6, $0x1;
	s3 =	sadd.s32 s4, s19  }
0x9c: {  	s7 =	simm.s32 $0x0;
	s20 =	sshll.u32 s5, $0x1;
	s5 =	sadd.s32 s21, s3  }
0x9d: {  	[timem:s7], [sflag:s22] =	dma.local [hbm:s5], s20  }
0x9e: {  	_ =	swait.ge [sflag:s22], s20  }
0x9f: {  	s4 =	ssub.s32 $0x0, s20;
	[sflag:s22] =	ssyncset.done $0x0  }
0xa0: {  	[sflag:s22] =	ssyncadd.s32 s4;
	_ =	sdelay $0x1  }
0xa1: {  	s23 =	simm.s32 $0x1B8B  }
0xa2: {  	_ =	swait.ge [sflag:s23], $0x1  }
0xa3: {  	[sflag:s23] =	ssyncset.done $0x0  }
0xa4: {  	s25 =	simm.s32 $0x1B8E;
	s24 =	sld [smem:$0x3FFE];
	[sflag:s23] =	ssyncadd.s32 $0xFFFFFFFF  }
0xa5: {  	s26 =	simm.s32 $execute0_lowered;
	[smem:$0x3FD2] =	sst s25  }
0xa6: {  	s5 =	sshll.u32 s26, $0x1;
	_ =	strace $0x80000049;
	[dreg:$0x1] =	wrdreg $0xFFFFFFFF  }
0xa7: {  	s28 =	simm.s32 $_size_execute0_lowered;
	s3 =	sadd.s32 s3, s5;
	[dreg:$0x0] =	wrdreg $0x0  }
0xa8: {  	s5 =	sshll.u32 s28, $0x1;
	[dreg:$0x2] =	wrdreg s3  }
0xa9: {  	[dreg:$0x3] =	wrdreg s5  }
0xaa: {  	[dreg:$0x4] =	wrdreg $0xC0  }
0xab: {  	_ =	task [dreg:s7], $0x5FFFF  }
0xac: {  	[dreg:$0x1] =	wrdreg $0xFFFFFFFF  }
0xad: {  	[dreg:$0x0] =	wrdreg $0x60  }
0xae: {  	[dreg:$0x2] =	wrdreg s24  }
0xaf: {  	[dreg:$0x3] =	wrdreg s2  }
0xb0: {  	[dreg:$0x4] =	wrdreg $0x9  }
0xb1: {  	_ =	task.clear_ibuf [dreg:s7], $0x5FFFF;
	_ =	strace $0x90000049  }
0xb2: {  	s29 =	simm.s32 $0x9;
	_ =	strace $0x8000004B  }
0xb3: {  	_ =	swait.ge [sflag:s29], $0x1  }
0xb4: {  	[sflag:s29] =	ssyncadd.s32 $0xFFFFFFFF  }
0xb5: {  	_ =	strace $0x9000004B  }
0xb6: {  	_ =	sfence  }
0xb7: {  	s30 =	sld [smem:$0x0];
	_ =	sdelay $0x2  }
0xb8: {  	s31 =	sshll.u32 s1, $0xD;
	s1 =	sshrl.u32 s1, $0x2  }
0xb9: {  	s3 =	sand.u32 $0x4000, s31;
	s1 =	sadd.s32 s1, s30  }
0xba: {  	s0 =	sor.u32 s3, s0;
	s1 =	sshll.u32 s1, $0x11  }
0xbb: {  	s0 =	sor.u32 s1, s0  }
0xbc: {  	s0 =	sadd.s32 $0x8F2B, s0  }
0xbd: {  	[sflag:s0] =	ssyncadd.remote.s32 $0x1  }
0xbe: {  	_ =	sfence.sel $0xFFFF  }
0xbf: {  	[dreg:$0x0] =	wrdreg $0xFFFFFFFF;
	(pc) =	sbr.abs _section_cstart, $3  }
0xc0: {  	[dreg:$0x1] =	wrdreg $0xFFFFFFFF  }
0xc1: {  	_ =	task.clear_ibuf [dreg:s7], $0x2FFFF;
	_ =	strace $0x9FFFFFFF  }
0xc2: {  	(tm) =	ssettm $0x7FFFFFFF  }
0xc3: {  	_ =	shalt  }
tec
execute0_lowered:
.L_overlay_start_1:
0x0: {  	(tag) =	ssettag $0x1  }
0x1: {  	s0 =	srdreg.scid  }
0x2: {  	s2 =	stileid.u32;
	s0 =	sand.u32 $0x1, s0  }
0x3: {  	s1 =	rddreg [dreg:$0x0];
	s2 =	sshll.u32 s2, $0x8;
	s3 =	sshll.u32 s0, $0x7  }
0x4: {  	s4 =	rddreg [dreg:$0x1];
	s3 =	sor.u32 s3, s2;
	s2 =	simm.s32 $0x0  }
0x5: {  	s18 =	simm.s32 $0x8880;
	[smem:$0x7FF] =	sst s2  }
0x6: {  	s19 =	simm.s32 $0x9080;
	_ =	strace $0x8000004A;
	[dreg:$0x7] =	wrdreg s18  }
0x7: {  	s20 =	simm.s32 $0x9880;
	[dreg:$0x8] =	wrdreg s19  }
0x8: {  	s21 =	simm.s32 $0xA080;
	[dreg:$0x9] =	wrdreg s20  }
0x9: {  	s22 =	simm.s32 $0xA880;
	[dreg:$0xa] =	wrdreg s21  }
0xa: {  	s23 =	simm.s32 $0xB080;
	[dreg:$0xb] =	wrdreg s22  }
0xb: {  	s24 =	simm.s32 $0xB880;
	[dreg:$0xc] =	wrdreg s23  }
0xc: {  	s25 =	simm.s32 $0xC080;
	s26 =	simm.s32 $0xC880;
	[dreg:$0xd] =	wrdreg s24  }
0xd: {  	s7 =	simm.s32 $0xD880;
	s8 =	simm.s32 $0xE080;
	[dreg:$0xe] =	wrdreg s25  }
0xe: {  	s9 =	simm.s32 $0xE880;
	s10 =	simm.s32 $0xF080;
	[dreg:$0xf] =	wrdreg s26  }
0xf: {  	s11 =	simm.s32 $0xF880;
	s12 =	simm.s32 $0x10880;
	[dreg:$0x11] =	wrdreg s7  }
0x10: {  	s13 =	simm.s32 $0x11080;
	s14 =	simm.s32 $0x11880;
	[dreg:$0x12] =	wrdreg s8  }
0x11: {  	s15 =	simm.s32 $0x12080;
	s29 =	simm.s32 $0x1;
	[dreg:$0x13] =	wrdreg s9  }
0x12: {  	s30 =	simm.s32 $0x4;
	s28 =	simm.s32 $0x7880;
	[dreg:$0x14] =	wrdreg s10  }
0x13: {  	s31 =	simm.s32 $0x10080;
	s0 =	ssub.s32 $0x2, s0;
	[dreg:$0x15] =	wrdreg s11  }
0x14: {  	s6 =	sshrl.u32 s0, $0x1;
	s5 =	sshrl.u32 s3, $0x3;
	[dreg:$0x16] =	wrdreg s12  }
0x15: {  	s3 =	sshll.u32 s3, $0x7;
	s0 =	ssub.s32 s0, s6;
	[dreg:$0x17] =	wrdreg s13  }
0x16: {  	s6 =	sadd.s32 $0x1800, s1;
	s5 =	sadd.s32 s5, s1;
	[dreg:$0x18] =	wrdreg s14  }
0x17: {  	s4 =	sadd.s32 s4, s3;
	s7 =	sadd.s32 $0x1900, s1;
	[dreg:$0x19] =	wrdreg s15  }
0x18: {  	s8 =	smax.u32 s0, $0x1;
	s18 =	simm.s32 $0x13880;
	[smem:$0x7F8] =	sst s4  }
0x19: {  	s10 =	simm.s32 $0x80;
	s19 =	simm.s32 $0x14080;
	[dreg:$0x1c] =	wrdreg s18  }
0x1a: {  	s20 =	simm.s32 $0x14880;
	s21 =	simm.s32 $0x15080;
	[dreg:$0x1d] =	wrdreg s19  }
0x1b: {  	s22 =	simm.s32 $0x15880;
	s23 =	simm.s32 $0x16080;
	[dreg:$0x1e] =	wrdreg s20  }
0x1c: {  	s24 =	simm.s32 $0x16880;
	s25 =	simm.s32 $0x17080;
	[dreg:$0x1f] =	wrdreg s21  }
0x1d: {  	s26 =	simm.s32 $0x17880;
	s0 =	simm.s32 $0x5;
	[smem:$0x7F9] =	sst s22  }
0x1e: {  	s13 =	simm.s32 $0x880;
	s14 =	simm.s32 $0x1080;
	[smem:$0x7FA] =	sst s23  }
0x1f: {  	s15 =	simm.s32 $0x1880;
	s5 =	sadd.s32 $0x1400, s5;
	[smem:$0x7FB] =	sst s24  }
0x20: {  	s3 =	sadd.s32 $0x1000, s4;
	s16 =	sadd.s32 $0x2000, s4;
	[smem:$0x7FC] =	sst s25  }
0x21: {  	s17 =	sadd.s32 $0x3000, s4;
	s4 =	sadd.s32 $0x1600, s1;
	[smem:$0x7FD] =	sst s26  }
0x22: {  	s18 =	simm.s32 $0x3080;
	s19 =	simm.s32 $0x3880;
	[dreg:$0x3] =	wrdreg s5  }
0x23: {  	s20 =	simm.s32 $0x4080;
	s21 =	simm.s32 $0x4880;
	[dreg:$0x4] =	wrdreg s3  }
0x24: {  	s22 =	simm.s32 $0x5080;
	s23 =	simm.s32 $0x5880;
	[dreg:$0x5] =	wrdreg s16  }
0x25: {  	s24 =	simm.s32 $0x6080;
	[dreg:$0x6] =	wrdreg s17;
	s5 =	simm.s32 $0xD080  }
0x26: {  	s25 =	simm.s32 $0x6880;
	s16 =	simm.s32 $0x12880;
	[dreg:$0x10] =	wrdreg s5  }
0x27: {  	v2 =	vlaneseq.u32;
	s26 =	simm.s32 $0x7080;
	s17 =	simm.s32 $0x13080;
	[dreg:$0x1a] =	wrdreg s16  }
0x28: {  	vm0 =	vmmov $0xffff;
	v1 =	vshrl.u32 v2, $0x3;
	s3 =	simm.s32 $0x6;
	s5 =	sadd.s32 $0x1700, s1;
	[dreg:$0x1b] =	wrdreg s17  }
0x29: {  	v0 =	vand.u32 $0x7, v2;
	v2 =	vor.u32 $0x8, v2;
	v1 =	vmul.u32 $0x8, v1;
	s1 =	simm.s32 $0x3;
	s16 =	simm.s32 $0x2080;
	s17 =	simm.s32 $0x2880  }
.LBB2_1:
0x2a: {  	s11 =	rddreg [dreg:$0x3];
	s9 =	simm.s32 $0x7  }
0x2b: {  	[tilespmem:s2], [sflag:$0x7] =	stream.linear.gather [hbm4b:s11+s2], $0x80, $0x38;
	[tilespmem:$0x18080] =	vst v63  }
0x2c: {  	_ =	swait.ge [sflag:s9], $0x80  }
0x2d: {  	[sflag:s9] =	ssyncset.done $0x0  }
0x2e: {  	[sflag:s9] =	ssyncadd.s32 $0xFFFFFF80  }
0x2f: {  	v3 =	vld [tilespmem:$0x0];
	_ =	sdelay $0x4  }
0x30: {  	v4 =	vshll.u32 v3, $0x3  }
0x31: {  	v3 =	vand.u32 $0x7, v3;
	v4 =	vand.u32 $0xFFFFFFC0, v4  }
0x32: {  	v3 =	vor.u32 v3, v4  }
0x33: {  	v4 =	vperm.xlane v3, v0;
	_ =	sdelay $0x1  }
0x34: {  	v4 =	vadd.s32 v1, v4;
	_ =	sdelay $0x4  }
0x35: {  	[tilespmem:s10], [sflag:$0x1] =	stream.indirect_vreg.gather [hbm4b:s4+s2], $0x80, v4, vm0, $0xb8;
	[tilespmem:$0x18080] =	vst v63  }
0x36: {  	v3 =	vperm.xlane v3, v2  }
0x37: {  	[tilespmem:s13], [sflag:$0x1] =	stream.indirect_vreg.gather [hbm4b:s5+s2], $0x80, v4, vm0, $0xb8;
	[tilespmem:$0x18080] =	vst v63  }
0x38: {  	v3 =	vadd.s32 v1, v3  }
0x39: {  	[tilespmem:s14], [sflag:$0x1] =	stream.indirect_vreg.gather [hbm4b:s6+s2], $0x80, v4, vm0, $0xb8;
	[tilespmem:$0x18080] =	vst v63  }
0x3a: {  	_ = 	snop  }
0x3b: {  	[tilespmem:s15], [sflag:$0x1] =	stream.indirect_vreg.gather [hbm4b:s7+s2], $0x80, v4, vm0, $0xb8;
	[tilespmem:$0x18080] =	vst v63  }
0x3c: {  	_ = 	snop  }
0x3d: {  	[tilespmem:s16], [sflag:$0x1] =	stream.indirect_vreg.gather [hbm4b:s4+s2], $0x80, v3, vm0, $0xb8;
	[tilespmem:$0x18080] =	vst v63  }
0x3e: {  	_ = 	snop  }
0x3f: {  	[tilespmem:s17], [sflag:$0x1] =	stream.indirect_vreg.gather [hbm4b:s5+s2], $0x80, v3, vm0, $0xb8;
	[tilespmem:$0x18080] =	vst v63  }
0x40: {  	_ = 	snop  }
0x41: {  	[tilespmem:s18], [sflag:$0x1] =	stream.indirect_vreg.gather [hbm4b:s6+s2], $0x80, v3, vm0, $0xb8;
	[tilespmem:$0x18080] =	vst v63  }
0x42: {  	_ = 	snop  }
0x43: {  	[tilespmem:s19], [sflag:$0x1] =	stream.indirect_vreg.gather [hbm4b:s7+s2], $0x80, v3, vm0, $0xb8;
	[tilespmem:$0x18080] =	vst v63  }
0x44: {  	v3 =	vld [tilespmem:$0x10];
	_ =	sdelay $0x4  }
0x45: {  	v57 =	vshll.u32 v3, $0x3  }
0x46: {  	v3 =	vand.u32 $0x7, v3;
	v4 =	vand.u32 $0xFFFFFFC0, v57  }
0x47: {  	v3 =	vor.u32 v3, v4  }
0x48: {  	v4 =	vperm.xlane v3, v0;
	_ =	sdelay $0x1  }
0x49: {  	v4 =	vadd.s32 v1, v4;
	_ =	sdelay $0x4  }
0x4a: {  	[tilespmem:s20], [sflag:$0x1] =	stream.indirect_vreg.gather [hbm4b:s4+s2], $0x80, v4, vm0, $0xb8;
	[tilespmem:$0x18080] =	vst v63  }
0x4b: {  	v3 =	vperm.xlane v3, v2  }
0x4c: {  	[tilespmem:s21], [sflag:$0x1] =	stream.indirect_vreg.gather [hbm4b:s5+s2], $0x80, v4, vm0, $0xb8;
	[tilespmem:$0x18080] =	vst v63  }
0x4d: {  	v3 =	vadd.s32 v1, v3  }
0x4e: {  	[tilespmem:s22], [sflag:$0x1] =	stream.indirect_vreg.gather [hbm4b:s6+s2], $0x80, v4, vm0, $0xb8;
	[tilespmem:$0x18080] =	vst v63  }
0x4f: {  	_ = 	snop  }
0x50: {  	[tilespmem:s23], [sflag:$0x1] =	stream.indirect_vreg.gather [hbm4b:s7+s2], $0x80, v4, vm0, $0xb8;
	[tilespmem:$0x18080] =	vst v63  }
0x51: {  	_ = 	snop  }
0x52: {  	[tilespmem:s24], [sflag:$0x1] =	stream.indirect_vreg.gather [hbm4b:s4+s2], $0x80, v3, vm0, $0xb8;
	[tilespmem:$0x18080] =	vst v63  }
0x53: {  	_ = 	snop  }
0x54: {  	[tilespmem:s25], [sflag:$0x1] =	stream.indirect_vreg.gather [hbm4b:s5+s2], $0x80, v3, vm0, $0xb8;
	[tilespmem:$0x18080] =	vst v63  }
0x55: {  	_ = 	snop  }
0x56: {  	[tilespmem:s26], [sflag:$0x1] =	stream.indirect_vreg.gather [hbm4b:s6+s2], $0x80, v3, vm0, $0xb8;
	[tilespmem:$0x18080] =	vst v63  }
0x57: {  	_ = 	snop  }
0x58: {  	[tilespmem:s28], [sflag:$0x1] =	stream.indirect_vreg.gather [hbm4b:s7+s2], $0x80, v3, vm0, $0xb8;
	[tilespmem:$0x18080] =	vst v63  }
0x59: {  	v3 =	vld [tilespmem:$0x20];
	_ =	sdelay $0x4  }
0x5a: {  	v58 =	vshll.u32 v3, $0x3  }
0x5b: {  	v3 =	vand.u32 $0x7, v3;
	v4 =	vand.u32 $0xFFFFFFC0, v58  }
0x5c: {  	v3 =	vor.u32 v3, v4  }
0x5d: {  	v4 =	vperm.xlane v3, v0;
	_ =	sdelay $0x1  }
0x5e: {  	v4 =	vadd.s32 v1, v4;
	_ =	sdelay $0x3  }
0x5f: {  	s9 =	simm.s32 $0x8080  }
0x60: {  	[tilespmem:s9], [sflag:$0x2] =	stream.indirect_vreg.gather [hbm4b:s4+s2], $0x80, v4, vm0, $0xb8;
	[tilespmem:$0x18080] =	vst v63  }
0x61: {  	s11 =	rddreg [dreg:$0x7];
	v3 =	vperm.xlane v3, v2  }
0x62: {  	[tilespmem:s11], [sflag:$0x2] =	stream.indirect_vreg.gather [hbm4b:s5+s2], $0x80, v4, vm0, $0xb8;
	[tilespmem:$0x18080] =	vst v63  }
0x63: {  	s12 =	rddreg [dreg:$0x8];
	v3 =	vadd.s32 v1, v3  }
0x64: {  	[tilespmem:s12], [sflag:$0x2] =	stream.indirect_vreg.gather [hbm4b:s6+s2], $0x80, v4, vm0, $0xb8;
	[tilespmem:$0x18080] =	vst v63  }
0x65: {  	s11 =	rddreg [dreg:$0x9]  }
0x66: {  	[tilespmem:s11], [sflag:$0x2] =	stream.indirect_vreg.gather [hbm4b:s7+s2], $0x80, v4, vm0, $0xb8;
	[tilespmem:$0x18080] =	vst v63  }
0x67: {  	s12 =	rddreg [dreg:$0xa]  }
0x68: {  	[tilespmem:s12], [sflag:$0x2] =	stream.indirect_vreg.gather [hbm4b:s4+s2], $0x80, v3, vm0, $0xb8;
	[tilespmem:$0x18080] =	vst v63  }
0x69: {  	s11 =	rddreg [dreg:$0xb]  }
0x6a: {  	[tilespmem:s11], [sflag:$0x2] =	stream.indirect_vreg.gather [hbm4b:s5+s2], $0x80, v3, vm0, $0xb8;
	[tilespmem:$0x18080] =	vst v63  }
0x6b: {  	s12 =	rddreg [dreg:$0xc]  }
0x6c: {  	[tilespmem:s12], [sflag:$0x2] =	stream.indirect_vreg.gather [hbm4b:s6+s2], $0x80, v3, vm0, $0xb8;
	[tilespmem:$0x18080] =	vst v63  }
0x6d: {  	s11 =	rddreg [dreg:$0xd]  }
0x6e: {  	[tilespmem:s11], [sflag:$0x2] =	stream.indirect_vreg.gather [hbm4b:s7+s2], $0x80, v3, vm0, $0xb8;
	[tilespmem:$0x18080] =	vst v63  }
0x6f: {  	v3 =	vld [tilespmem:$0x30];
	_ =	sdelay $0x4  }
0x70: {  	v59 =	vshll.u32 v3, $0x3  }
0x71: {  	v3 =	vand.u32 $0x7, v3;
	v4 =	vand.u32 $0xFFFFFFC0, v59  }
0x72: {  	v3 =	vor.u32 v3, v4  }
0x73: {  	v4 =	vperm.xlane v3, v0;
	_ =	sdelay $0x1  }
0x74: {  	v4 =	vadd.s32 v1, v4;
	_ =	sdelay $0x3  }
0x75: {  	s11 =	rddreg [dreg:$0xe]  }
0x76: {  	[tilespmem:s11], [sflag:$0x2] =	stream.indirect_vreg.gather [hbm4b:s4+s2], $0x80, v4, vm0, $0xb8;
	[tilespmem:$0x18080] =	vst v63  }
0x77: {  	s12 =	rddreg [dreg:$0xf];
	v3 =	vperm.xlane v3, v2  }
0x78: {  	[tilespmem:s12], [sflag:$0x2] =	stream.indirect_vreg.gather [hbm4b:s5+s2], $0x80, v4, vm0, $0xb8;
	[tilespmem:$0x18080] =	vst v63  }
0x79: {  	v3 =	vadd.s32 v1, v3;
	s11 =	rddreg [dreg:$0x10]  }
0x7a: {  	[tilespmem:s11], [sflag:$0x2] =	stream.indirect_vreg.gather [hbm4b:s6+s2], $0x80, v4, vm0, $0xb8;
	[tilespmem:$0x18080] =	vst v63  }
0x7b: {  	s12 =	rddreg [dreg:$0x11]  }
0x7c: {  	[tilespmem:s12], [sflag:$0x2] =	stream.indirect_vreg.gather [hbm4b:s7+s2], $0x80, v4, vm0, $0xb8;
	[tilespmem:$0x18080] =	vst v63  }
0x7d: {  	s11 =	rddreg [dreg:$0x12]  }
0x7e: {  	[tilespmem:s11], [sflag:$0x2] =	stream.indirect_vreg.gather [hbm4b:s4+s2], $0x80, v3, vm0, $0xb8;
	[tilespmem:$0x18080] =	vst v63  }
0x7f: {  	s12 =	rddreg [dreg:$0x13]  }
0x80: {  	[tilespmem:s12], [sflag:$0x2] =	stream.indirect_vreg.gather [hbm4b:s5+s2], $0x80, v3, vm0, $0xb8;
	[tilespmem:$0x18080] =	vst v63  }
0x81: {  	s11 =	rddreg [dreg:$0x14]  }
0x82: {  	[tilespmem:s11], [sflag:$0x2] =	stream.indirect_vreg.gather [hbm4b:s6+s2], $0x80, v3, vm0, $0xb8;
	[tilespmem:$0x18080] =	vst v63  }
0x83: {  	s12 =	rddreg [dreg:$0x15]  }
0x84: {  	[tilespmem:s12], [sflag:$0x2] =	stream.indirect_vreg.gather [hbm4b:s7+s2], $0x80, v3, vm0, $0xb8;
	[tilespmem:$0x18080] =	vst v63  }
0x85: {  	v3 =	vld [tilespmem:$0x40];
	_ =	sdelay $0x4  }
0x86: {  	v60 =	vshll.u32 v3, $0x3  }
0x87: {  	v3 =	vand.u32 $0x7, v3;
	v4 =	vand.u32 $0xFFFFFFC0, v60  }
0x88: {  	v3 =	vor.u32 v3, v4  }
0x89: {  	v4 =	vperm.xlane v3, v0;
	_ =	sdelay $0x1  }
0x8a: {  	v4 =	vadd.s32 v1, v4;
	_ =	sdelay $0x4  }
0x8b: {  	[tilespmem:s31], [sflag:$0x3] =	stream.indirect_vreg.gather [hbm4b:s4+s2], $0x80, v4, vm0, $0xb8;
	[tilespmem:$0x18080] =	vst v63  }
0x8c: {  	s11 =	rddreg [dreg:$0x16];
	v3 =	vperm.xlane v3, v2  }
0x8d: {  	[tilespmem:s11], [sflag:$0x3] =	stream.indirect_vreg.gather [hbm4b:s5+s2], $0x80, v4, vm0, $0xb8;
	[tilespmem:$0x18080] =	vst v63  }
0x8e: {  	s12 =	rddreg [dreg:$0x17];
	v3 =	vadd.s32 v1, v3  }
0x8f: {  	[tilespmem:s12], [sflag:$0x3] =	stream.indirect_vreg.gather [hbm4b:s6+s2], $0x80, v4, vm0, $0xb8;
	[tilespmem:$0x18080] =	vst v63  }
0x90: {  	s11 =	rddreg [dreg:$0x18]  }
0x91: {  	[tilespmem:s11], [sflag:$0x3] =	stream.indirect_vreg.gather [hbm4b:s7+s2], $0x80, v4, vm0, $0xb8;
	[tilespmem:$0x18080] =	vst v63  }
0x92: {  	s12 =	rddreg [dreg:$0x19]  }
0x93: {  	[tilespmem:s12], [sflag:$0x3] =	stream.indirect_vreg.gather [hbm4b:s4+s2], $0x80, v3, vm0, $0xb8;
	[tilespmem:$0x18080] =	vst v63  }
0x94: {  	s11 =	rddreg [dreg:$0x1a]  }
0x95: {  	[tilespmem:s11], [sflag:$0x3] =	stream.indirect_vreg.gather [hbm4b:s5+s2], $0x80, v3, vm0, $0xb8;
	[tilespmem:$0x18080] =	vst v63  }
0x96: {  	s12 =	rddreg [dreg:$0x1b]  }
0x97: {  	[tilespmem:s12], [sflag:$0x3] =	stream.indirect_vreg.gather [hbm4b:s6+s2], $0x80, v3, vm0, $0xb8;
	[tilespmem:$0x18080] =	vst v63  }
0x98: {  	s11 =	rddreg [dreg:$0x1c]  }
0x99: {  	[tilespmem:s11], [sflag:$0x3] =	stream.indirect_vreg.gather [hbm4b:s7+s2], $0x80, v3, vm0, $0xb8;
	[tilespmem:$0x18080] =	vst v63  }
0x9a: {  	v3 =	vld [tilespmem:$0x50];
	_ =	sdelay $0x4  }
0x9b: {  	v61 =	vshll.u32 v3, $0x3  }
0x9c: {  	v3 =	vand.u32 $0x7, v3;
	v4 =	vand.u32 $0xFFFFFFC0, v61  }
0x9d: {  	v3 =	vor.u32 v3, v4  }
0x9e: {  	v4 =	vperm.xlane v3, v0;
	_ =	sdelay $0x1  }
0x9f: {  	v4 =	vadd.s32 v1, v4;
	_ =	sdelay $0x2  }
0xa0: {  	s12 =	rddreg [dreg:$0x1e]  }
0xa1: {  	s11 =	rddreg [dreg:$0x1d]  }
0xa2: {  	[tilespmem:s11], [sflag:$0x3] =	stream.indirect_vreg.gather [hbm4b:s4+s2], $0x80, v4, vm0, $0xb8;
	[tilespmem:$0x18080] =	vst v63  }
0xa3: {  	v3 =	vperm.xlane v3, v2;
	s11 =	rddreg [dreg:$0x1f]  }
0xa4: {  	[tilespmem:s12], [sflag:$0x3] =	stream.indirect_vreg.gather [hbm4b:s5+s2], $0x80, v4, vm0, $0xb8;
	[tilespmem:$0x18080] =	vst v63  }
0xa5: {  	v3 =	vadd.s32 v1, v3;
	s12 =	sld [smem:$0x7F9]  }
0xa6: {  	[tilespmem:s11], [sflag:$0x3] =	stream.indirect_vreg.gather [hbm4b:s6+s2], $0x80, v4, vm0, $0xb8;
	[tilespmem:$0x18080] =	vst v63  }
0xa7: {  	s11 =	sld [smem:$0x7FA]  }
0xa8: {  	[tilespmem:s12], [sflag:$0x3] =	stream.indirect_vreg.gather [hbm4b:s7+s2], $0x80, v4, vm0, $0xb8;
	[tilespmem:$0x18080] =	vst v63  }
0xa9: {  	s12 =	sld [smem:$0x7FB]  }
0xaa: {  	[tilespmem:s11], [sflag:$0x3] =	stream.indirect_vreg.gather [hbm4b:s4+s2], $0x80, v3, vm0, $0xb8;
	[tilespmem:$0x18080] =	vst v63  }
0xab: {  	s11 =	sld [smem:$0x7FC]  }
0xac: {  	[tilespmem:s12], [sflag:$0x3] =	stream.indirect_vreg.gather [hbm4b:s5+s2], $0x80, v3, vm0, $0xb8;
	[tilespmem:$0x18080] =	vst v63  }
0xad: {  	s12 =	sld [smem:$0x7FD]  }
0xae: {  	[tilespmem:s11], [sflag:$0x3] =	stream.indirect_vreg.gather [hbm4b:s6+s2], $0x80, v3, vm0, $0xb8;
	[tilespmem:$0x18080] =	vst v63  }
0xaf: {  	_ = 	snop  }
0xb0: {  	[tilespmem:s12], [sflag:$0x3] =	stream.indirect_vreg.gather [hbm4b:s7+s2], $0x80, v3, vm0, $0xb8;
	[tilespmem:$0x18080] =	vst v63  }
0xb1: {  	_ =	swait.ge [sflag:s29], $0x8000  }
0xb2: {  	s12 =	sld [smem:$0x7F8]  }
0xb3: {  	[sflag:s29] =	ssyncset.done $0x0  }
0xb4: {  	[sflag:s29] =	ssyncadd.s32 $0xFFFF8000  }
0xb5: {  	[hbm4b:s12+s2] =	stream.linear.scatter [tilespmem:s10], [sflag:$0x4], $0x8000, $0x38;
	[tilespmem:$0x18080] =	vst v63  }
0xb6: {  	_ =	swait.ge [sflag:s30], $0x8000  }
0xb7: {  	[sflag:s30] =	ssyncset.done $0x0  }
0xb8: {  	[sflag:s30] =	ssyncadd.s32 $0xFFFF8000  }
0xb9: {  	v3 =	vld [tilespmem:$0x60];
	_ =	sdelay $0x4  }
0xba: {  	v62 =	vshll.u32 v3, $0x3  }
0xbb: {  	v3 =	vand.u32 $0x7, v3;
	v4 =	vand.u32 $0xFFFFFFC0, v62  }
0xbc: {  	v3 =	vor.u32 v3, v4  }
0xbd: {  	v4 =	vperm.xlane v3, v0;
	_ =	sdelay $0x1  }
0xbe: {  	v4 =	vadd.s32 v1, v4;
	_ =	sdelay $0x4  }
0xbf: {  	[tilespmem:s10], [sflag:$0x1] =	stream.indirect_vreg.gather [hbm4b:s4+s2], $0x80, v4, vm0, $0xb8;
	[tilespmem:$0x18080] =	vst v63  }
0xc0: {  	v3 =	vperm.xlane v3, v2  }
0xc1: {  	[tilespmem:s13], [sflag:$0x1] =	stream.indirect_vreg.gather [hbm4b:s5+s2], $0x80, v4, vm0, $0xb8;
	[tilespmem:$0x18080] =	vst v63  }
0xc2: {  	v3 =	vadd.s32 v1, v3  }
0xc3: {  	[tilespmem:s14], [sflag:$0x1] =	stream.indirect_vreg.gather [hbm4b:s6+s2], $0x80, v4, vm0, $0xb8;
	[tilespmem:$0x18080] =	vst v63  }
0xc4: {  	_ = 	snop  }
0xc5: {  	[tilespmem:s15], [sflag:$0x1] =	stream.indirect_vreg.gather [hbm4b:s7+s2], $0x80, v4, vm0, $0xb8;
	[tilespmem:$0x18080] =	vst v63  }
0xc6: {  	_ = 	snop  }
0xc7: {  	[tilespmem:s16], [sflag:$0x1] =	stream.indirect_vreg.gather [hbm4b:s4+s2], $0x80, v3, vm0, $0xb8;
	[tilespmem:$0x18080] =	vst v63  }
0xc8: {  	_ = 	snop  }
0xc9: {  	[tilespmem:s17], [sflag:$0x1] =	stream.indirect_vreg.gather [hbm4b:s5+s2], $0x80, v3, vm0, $0xb8;
	[tilespmem:$0x18080] =	vst v63  }
0xca: {  	_ = 	snop  }
0xcb: {  	[tilespmem:s18], [sflag:$0x1] =	stream.indirect_vreg.gather [hbm4b:s6+s2], $0x80, v3, vm0, $0xb8;
	[tilespmem:$0x18080] =	vst v63  }
0xcc: {  	_ = 	snop  }
0xcd: {  	[tilespmem:s19], [sflag:$0x1] =	stream.indirect_vreg.gather [hbm4b:s7+s2], $0x80, v3, vm0, $0xb8;
	[tilespmem:$0x18080] =	vst v63  }
0xce: {  	v3 =	vld [tilespmem:$0x70];
	_ =	sdelay $0x4  }
0xcf: {  	v63 =	vshll.u32 v3, $0x3  }
0xd0: {  	v3 =	vand.u32 $0x7, v3;
	v4 =	vand.u32 $0xFFFFFFC0, v63  }
0xd1: {  	v3 =	vor.u32 v3, v4  }
0xd2: {  	v4 =	vperm.xlane v3, v0;
	_ =	sdelay $0x1  }
0xd3: {  	v4 =	vadd.s32 v1, v4;
	_ =	sdelay $0x4  }
0xd4: {  	[tilespmem:s20], [sflag:$0x1] =	stream.indirect_vreg.gather [hbm4b:s4+s2], $0x80, v4, vm0, $0xb8;
	[tilespmem:$0x18080] =	vst v63  }
0xd5: {  	v3 =	vperm.xlane v3, v2  }
0xd6: {  	[tilespmem:s21], [sflag:$0x1] =	stream.indirect_vreg.gather [hbm4b:s5+s2], $0x80, v4, vm0, $0xb8;
	[tilespmem:$0x18080] =	vst v63  }
0xd7: {  	v3 =	vadd.s32 v1, v3  }
0xd8: {  	[tilespmem:s22], [sflag:$0x1] =	stream.indirect_vreg.gather [hbm4b:s6+s2], $0x80, v4, vm0, $0xb8;
	[tilespmem:$0x18080] =	vst v63  }
0xd9: {  	_ = 	snop  }
0xda: {  	[tilespmem:s23], [sflag:$0x1] =	stream.indirect_vreg.gather [hbm4b:s7+s2], $0x80, v4, vm0, $0xb8;
	[tilespmem:$0x18080] =	vst v63  }
0xdb: {  	_ = 	snop  }
0xdc: {  	[tilespmem:s24], [sflag:$0x1] =	stream.indirect_vreg.gather [hbm4b:s4+s2], $0x80, v3, vm0, $0xb8;
	[tilespmem:$0x18080] =	vst v63  }
0xdd: {  	_ = 	snop  }
0xde: {  	[tilespmem:s25], [sflag:$0x1] =	stream.indirect_vreg.gather [hbm4b:s5+s2], $0x80, v3, vm0, $0xb8;
	[tilespmem:$0x18080] =	vst v63  }
0xdf: {  	_ = 	snop  }
0xe0: {  	[tilespmem:s26], [sflag:$0x1] =	stream.indirect_vreg.gather [hbm4b:s6+s2], $0x80, v3, vm0, $0xb8;
	[tilespmem:$0x18080] =	vst v63  }
0xe1: {  	s12 =	simm.s32 $0x2  }
0xe2: {  	[tilespmem:s28], [sflag:$0x1] =	stream.indirect_vreg.gather [hbm4b:s7+s2], $0x80, v3, vm0, $0xb8;
	[tilespmem:$0x18080] =	vst v63  }
0xe3: {  	_ =	swait.ge [sflag:s12], $0x8000  }
0xe4: {  	[sflag:s12] =	ssyncset.done $0x0  }
0xe5: {  	s11 =	rddreg [dreg:$0x4];
	[sflag:s12] =	ssyncadd.s32 $0xFFFF8000  }
0xe6: {  	[hbm4b:s11+s2] =	stream.linear.scatter [tilespmem:s9], [sflag:$0x5], $0x8000, $0x38;
	[tilespmem:$0x18080] =	vst v63  }
0xe7: {  	_ =	swait.ge [sflag:s1], $0x8000  }
0xe8: {  	[sflag:s1] =	ssyncset.done $0x0  }
0xe9: {  	s9 =	rddreg [dreg:$0x5];
	[sflag:s1] =	ssyncadd.s32 $0xFFFF8000  }
0xea: {  	[hbm4b:s9+s2] =	stream.linear.scatter [tilespmem:s31], [sflag:$0x6], $0x8000, $0x38;
	[tilespmem:$0x18080] =	vst v63  }
0xeb: {  	_ =	swait.ge [sflag:s29], $0x8000  }
0xec: {  	[sflag:s29] =	ssyncset.done $0x0  }
0xed: {  	s12 =	rddreg [dreg:$0x6];
	[sflag:s29] =	ssyncadd.s32 $0xFFFF8000  }
0xee: {  	[hbm4b:s12+s2] =	stream.linear.scatter [tilespmem:s10], [sflag:$0x4], $0x8000, $0x38;
	[tilespmem:$0x18080] =	vst v63  }
0xef: {  	_ =	swait.ge [sflag:s0], $0x8000  }
0xf0: {  	[sflag:s0] =	ssyncset.done $0x0  }
0xf1: {  	[sflag:s0] =	ssyncadd.s32 $0xFFFF8000  }
0xf2: {  	p0 =	sne.s32 s8, $0x1;
	_ =	swait.ge [sflag:s3], $0x8000  }
.Ltmp0:
0xf3: {  	[sflag:s3] =	ssyncset.done $0x0;
	(pc) =	sbr.rel @p0 .LBB2_1-.Ltmp0, $4  }
0xf4: {  	[sflag:s3] =	ssyncadd.s32 $0xFFFF8000  }
0xf5: {  	_ =	swait.ge [sflag:s30], $0x8000  }
0xf6: {  	[sflag:s30] =	ssyncset.done $0x0  }
0xf7: {  	s8 =	sadd.s32 $0xFFFFFFFF, s8;
	[sflag:s30] =	ssyncadd.s32 $0xFFFF8000  }
0xf8: {  	_ =	sfence.sel $0x180000  }
0xf9: {  	[bflag:$0x0] =	sbarrier.arrive $0xFFFF  }
0xfa: {  	_ =	strace $0x9000004A  }
0xfb: {  	s0 =	stileid.u32;
	[bflag:$0x2] =	sbarrier.arrive $0xFFFF  }
0xfc: {  	p0 =	sne.s32 s0, $0x0;
	s0 =	rddreg [dreg:$0x2]  }
0xfd: {  	s0 =	sadd.s32 @!p0 $0x100000, s0  }
0xfe: {  	[sflag:s0] =	ssyncadd.tile.s32 @!p0 $0x1;
	_ =	shalt  }
.Lfunc_end2:
_tile_overlayer_lowered:
.L_overlay_start_2:
0xff: {  	(tag) =	ssettag $0x2  }
0x100: {  	s0 =	rddreg [dreg:$0x0];
	s2 =	stileid.u32  }
0x101: {  	s1 =	rddreg [dreg:$0x1];
	p0 =	sne.s32 s2, $0x0  }
0x102: {  	s3 =	rddreg [dreg:$0x2];
	[bflag:$0x3] =	sbarrier.arrive $0xFFFF;
	s2 =	simm.s32 @!p0 $0x1C07  }
0x103: {  	[timem:s3], [sflag:s2] =	dma.local @!p0 [hbm:s0], s1  }
0x104: {  	s0 =	simm.s32 @!p0 $0x7  }
0x105: {  	_ =	swait.ge @!p0 [sflag:s0], s1  }
0x106: {  	s1 =	ssub.s32 @!p0 $0x0, s1;
	[sflag:s0] =	ssyncset.done @!p0 $0x0  }
0x107: {  	[sflag:s0] =	ssyncadd.s32 @!p0 s1  }
0x108: {  	[bflag:$0x3] =	sbarrier.arrive $0xFFFF  }
0x109: {  	_ =	shalt  }

</sc_bundles>
